<compile_context>
chip_gen: v7x
topology: tpu7x:2x2x1
jax: 0.10.2.dev20260603
libtpu: 0.0.44.dev20260713+nightly
codegen_flags: <defaults>
</compile_context>

<pallas_src>
import functools

import numpy as np
import jax
import jax.numpy as jnp
from jax import lax
from jax.experimental import pallas as pl
from jax.experimental.pallas import tpu as pltpu
from jax.experimental.pallas import tpu_sc as plsc

B, N, D = 128, 64, 128
NS = 100
NB = 16
K = 16
RC = 2.0
UPDATE = 0.5
DECAY = 0.9
NCONV = 3
P_OUT = 64
E_OUT = 32

MB = 4
HI = lax.Precision.HIGHEST


CENTERS = (0.5, 0.6000000238418579, 0.7000000476837158, 0.800000011920929,
           0.9000000357627869, 1.0, 1.100000023841858, 1.2000000476837158,
           1.3000000715255737, 1.4000000953674316, 1.5, 1.600000023841858,
           1.7000000476837158, 1.8000000715255737, 1.9000000953674316, 2.0)


def _dot(a, b, precision=None):
    return lax.dot_general(a, b, (((1,), (0,)), ((), ())), precision=precision,
                           preferred_element_type=jnp.float32)


_SC_INFO = plsc.get_sparse_core_info()
_NW = _SC_INFO.num_cores * _SC_INFO.num_subcores
_BPW = (B * N) // _NW
_CH = 128
_NCH = _BPW // _CH


@functools.partial(
    pl.kernel,
    mesh=plsc.VectorSubcoreMesh(core_axis_name="c", subcore_axis_name="s"),
    out_type=jax.ShapeDtypeStruct((B * N, D), jnp.float32),
    scratch_types=[
        pltpu.VMEM((_NCH, _CH), jnp.int32),
        pltpu.VMEM((_BPW, D), jnp.float32),
        pltpu.SemaphoreType.DMA,
    ],
)
def _sc_embed(idx_hbm, table_hbm, out_hbm, idx_v, rows_v, sem):
    wid = lax.axis_index("s") * _SC_INFO.num_cores + lax.axis_index("c")
    pltpu.sync_copy(idx_hbm.at[pl.ds(wid * _NCH, _NCH)], idx_v)
    copies = [pltpu.async_copy(table_hbm.at[idx_v.at[c]],
                               rows_v.at[pl.ds(c * _CH, _CH)], sem)
              for c in range(_NCH)]
    for cp in copies:
        cp.wait()
    pltpu.sync_copy(rows_v, out_hbm.at[pl.ds(wid * _BPW, _BPW)])


def _mol_kernel(h0_ref, coords_ref, ct_ref, wrbf_ref, w1_ref,
                b1_ref, w2_ref, b2_ref, wp1_ref, bp1_ref, wp2_ref, bp2_ref,
                wq_ref, wk_ref, we1_ref, be1_ref, we2_ref, be2_ref,
                iso_ref, an_ref):
    f32 = jnp.float32

    h3 = h0_ref[...]
    hf = h3.reshape(MB * N, D)

    coords = coords_ref[...]
    ct = ct_ref[...]
    rx = coords[:, :, 0:1] - ct[:, 0:1, :]
    ry = coords[:, :, 1:2] - ct[:, 1:2, :]
    rz = coords[:, :, 2:3] - ct[:, 2:3, :]
    dist = jnp.sqrt(rx * rx + rz * rz + ry * ry + 1e-12)

    rbf_f = jnp.concatenate(
        [jnp.exp(-10.0 * (dist - np.float32(CENTERS[r])) ** 2)
         for r in range(NB)], axis=1)

    wrbf = wrbf_ref[...]
    w1 = w1_ref[...]; b1 = b1_ref[...]
    w2 = w2_ref[...]; b2 = b2_ref[...]

    for step in range(NCONV):
        h3 = hf.reshape(MB, N, D)
        agg = jnp.stack([_dot(rbf_f[mb], h3[mb]) for mb in range(MB)],
                        axis=0).reshape(MB, NB, N, D)
        ps = [agg[:, r] * wrbf[r:r + 1, :] for r in range(NB)]
        c = [ps[i] + ps[i + 8] for i in range(8)]
        s1 = [c[i] + c[i + 4] for i in range(4)]
        s2 = [s1[i] + s1[i + 2] for i in range(2)]
        m = s2[0] + s2[1]
        mf = m.reshape(MB * N, D)
        upd = _dot(jnp.tanh(_dot(mf, w1) + b1), w2) + b2
        hf = hf + (UPDATE * (DECAY ** step)) * upd

    h3 = hf.reshape(MB, N, D)

    pa = _dot(jnp.tanh(_dot(hf, wp1_ref[...]) + bp1_ref[...]),
              wp2_ref[...]) + bp2_ref[...]
    iso_ref[...] = pa.reshape(MB, N, P_OUT)

    q3 = _dot(hf, wq_ref[...]).reshape(MB, N, D)
    k3 = _dot(hf, wk_ref[...]).reshape(MB, N, D)
    scores = jnp.stack(
        [lax.dot_general(q3[mb], k3[mb], (((1,), (1,)), ((), ())),
                         preferred_element_type=f32)
         for mb in range(MB)], axis=0) / jnp.sqrt(f32(D))

    iota_i = lax.broadcasted_iota(jnp.int32, (MB, N, N), 1)
    iota_j = lax.broadcasted_iota(jnp.int32, (MB, N, N), 2)
    valid = (dist < RC) & (iota_i != iota_j)
    s = jnp.where(valid, scores, f32(-1e9))

    vals = []
    sels = []
    for _ in range(K):
        vmax = jnp.max(s, axis=-1, keepdims=True)
        cand = jnp.where(s == vmax, iota_j, N)
        amin = jnp.min(cand, axis=-1, keepdims=True)
        sel = iota_j == amin
        vals.append(vmax)
        sels.append(sel.astype(f32)[:, :, None, :])
        s = jnp.where(sel, f32(-1e38), s)

    top_vals = jnp.concatenate(vals, axis=-1)
    mx = jnp.max(top_vals, axis=-1, keepdims=True)
    p = jnp.exp(top_vals - mx)
    attn = p / jnp.sum(p, axis=-1, keepdims=True)

    oh2f = jnp.concatenate(sels, axis=2).reshape(MB, N * K, N)
    hsel = jnp.stack([_dot(oh2f[mb], h3[mb], precision=HI) for mb in range(MB)],
                     axis=0).reshape(MB, N, K, D)
    csel = jnp.stack([_dot(oh2f[mb], coords[mb], precision=HI)
                      for mb in range(MB)], axis=0).reshape(MB, N, K, 3)
    rsx4 = coords[:, :, None, 0:1] - csel[:, :, :, 0:1]
    rsy4 = coords[:, :, None, 1:2] - csel[:, :, :, 1:2]
    rsz4 = coords[:, :, None, 2:3] - csel[:, :, :, 2:3]
    den4 = jnp.sqrt(rsx4 * rsx4 + rsz4 * rsz4 + rsy4 * rsy4 + 1e-12) + 1e-9

    pair = (h3[:, :, None, :] + hsel).reshape(MB * N * K, D)
    e = _dot(jnp.tanh(_dot(pair, we1_ref[...]) + be1_ref[...]),
             we2_ref[...]) + be2_ref[...]
    e4 = e.reshape(MB, N, K, E_OUT)

    ats = [attn[:, :, t:t + 1][:, :, :, None] for t in range(K)]
    ea = e4 * jnp.concatenate(ats, axis=2)
    an_ref[...] = jnp.concatenate(
        [(rsx4 / den4) * ea, (rsy4 / den4) * ea, (rsz4 / den4) * ea],
        axis=-1)


def kernel(species, coords, emb_table, W_rbf, W1, b1, W2, b2, Wp1, bp1, Wp2,
           bp2, Wq, Wk, We1, be1, We2, be2):
    sp_chunks = species.astype(jnp.int32).reshape(B * N // _CH, _CH)
    h0 = _sc_embed(sp_chunks, emb_table).reshape(B, N, D)
    ct = jnp.swapaxes(coords, 1, 2)
    b1r = b1.reshape(1, D); b2r = b2.reshape(1, D)
    bp1r = bp1.reshape(1, D); bp2r = bp2.reshape(1, P_OUT)
    be1r = be1.reshape(1, D); be2r = be2.reshape(1, E_OUT)

    grid = (B // MB,)
    z2 = lambda i: (0, 0)
    in_specs = [
        pl.BlockSpec((MB, N, D), lambda i: (i, 0, 0)),
        pl.BlockSpec((MB, N, 3), lambda i: (i, 0, 0)),
        pl.BlockSpec((MB, 3, N), lambda i: (i, 0, 0)),
        pl.BlockSpec((NB, D), z2),
        pl.BlockSpec((D, D), z2), pl.BlockSpec((1, D), z2),
        pl.BlockSpec((D, D), z2), pl.BlockSpec((1, D), z2),
        pl.BlockSpec((D, D), z2), pl.BlockSpec((1, D), z2),
        pl.BlockSpec((D, P_OUT), z2), pl.BlockSpec((1, P_OUT), z2),
        pl.BlockSpec((D, D), z2),
        pl.BlockSpec((D, D), z2),
        pl.BlockSpec((D, D), z2), pl.BlockSpec((1, D), z2),
        pl.BlockSpec((D, E_OUT), z2), pl.BlockSpec((1, E_OUT), z2),
    ]
    out_specs = [
        pl.BlockSpec((MB, N, P_OUT), lambda i: (i, 0, 0)),
        pl.BlockSpec((MB, N, K, 3 * E_OUT), lambda i: (i, 0, 0, 0)),
    ]
    out_shape = [
        jax.ShapeDtypeStruct((B, N, P_OUT), jnp.float32),
        jax.ShapeDtypeStruct((B, N, K, 3 * E_OUT), jnp.float32),
    ]
    c_iso, an = pl.pallas_call(
        _mol_kernel,
        grid=grid,
        in_specs=in_specs,
        out_specs=out_specs,
        out_shape=out_shape,
        compiler_params=pltpu.CompilerParams(
            dimension_semantics=("arbitrary",)),
    )(h0, coords, ct, W_rbf, W1, b1r, W2, b2r, Wp1, bp1r, Wp2,
      bp2r, Wq, Wk, We1, be1r, We2, be2r)
    c_aniso = an.reshape(B, N, K * 3, E_OUT)
    return (c_iso, c_aniso)

# --- scband reference (transcript-rebuilt; emitter-appended) ---
"""Pipeline reference for scband-adnnx-25786983645309 (READ-ONLY COPY).

The authoritative reference and input builder live on the scoring server;
editing this copy changes nothing except your own understanding.
"""

import jax, jax.numpy as jnp
import numpy as np

B, N, D = 128, 64, 128
NS = 100
NB = 16
K = 16
RC = 2.0
UPDATE = 0.5
DECAY = 0.9
NCONV = 3
P_OUT = 64
E_OUT = 32


def setup_inputs(seed: int = 0) -> dict:
    key = jax.random.key(seed)
    ks = jax.random.split(key, 20)

    def w(k, shape, scale=0.05):
        return jax.random.normal(k, shape, dtype=jnp.float32) * scale

    inp = {}
    inp["species"] = jax.random.randint(ks[0], (B, N), 0, NS)
    inp["coords"] = jax.random.normal(ks[1], (B, N, 3), dtype=jnp.float32)
    inp["emb_table"] = w(ks[2], (NS, D), 1.0)
    inp["W_rbf"] = w(ks[3], (NB, D))
    inp["W1"] = w(ks[4], (D, D)); inp["b1"] = jnp.zeros((D,), jnp.float32)
    inp["W2"] = w(ks[5], (D, D)); inp["b2"] = jnp.zeros((D,), jnp.float32)
    inp["Wp1"] = w(ks[6], (D, D)); inp["bp1"] = jnp.zeros((D,), jnp.float32)
    inp["Wp2"] = w(ks[7], (D, P_OUT)); inp["bp2"] = jnp.zeros((P_OUT,), jnp.float32)
    inp["Wq"] = w(ks[8], (D, D))
    inp["Wk"] = w(ks[9], (D, D))
    inp["We1"] = w(ks[10], (D, D)); inp["be1"] = jnp.zeros((D,), jnp.float32)
    inp["We2"] = w(ks[11], (D, E_OUT)); inp["be2"] = jnp.zeros((E_OUT,), jnp.float32)
    return inp


def _forward(species, coords, emb_table, W_rbf, W1, b1, W2, b2,
             Wp1, bp1, Wp2, bp2, Wq, Wk, We1, be1, We2, be2):
    centers = jnp.linspace(0.5, RC, NB).astype(jnp.float32)
    widths = jnp.full((NB,), 10.0, jnp.float32)

    # MolecularEmbedding
    h = emb_table[species]                                    # [B,N,D]

    # pairwise geometry
    rel = coords[:, :, None, :] - coords[:, None, :, :]       # [B,N,N,3]
    dist = jnp.sqrt(jnp.sum(rel * rel, axis=-1) + 1e-12)      # [B,N,N]
    rbf = jnp.exp(-widths[None, None, None, :]
                  * (dist[..., None] - centers[None, None, None, :]) ** 2)  # [B,N,N,NB]

    # NodeConvolve with geometric decay of update ratio
    for i in range(NCONV):
        agg = jnp.einsum('bijr,bjd->bird', rbf, h)            # [B,N,NB,D]
        m = jnp.sum(agg * W_rbf[None, None, :, :], axis=2)    # [B,N,D]
        upd = jnp.tanh(m @ W1 + b1) @ W2 + b2
        h = h + UPDATE * (DECAY ** i) * upd

    # NodePool -> (total, per-atom); c_iso = per-atom contributions
    per_atom = jnp.tanh(h @ Wp1 + bp1) @ Wp2 + bp2            # [B,N,P_OUT]
    c_iso = per_atom

    # TopKAttentionEdgePool: attention scores, cutoff mask, top-k neighbors
    q = h @ Wq
    kk = h @ Wk
    scores = jnp.einsum('bid,bjd->bij', q, kk) / jnp.sqrt(float(D))
    eye = jnp.eye(N, dtype=bool)[None]
    valid = (dist < RC) & (~eye)
    scores = jnp.where(valid, scores, -1e9)
    top_vals, top_idx = jax.lax.top_k(scores, K)              # [B,N,K]
    attn = jax.nn.softmax(top_vals, axis=-1)                  # [B,N,K]

    h_sel = jax.vmap(lambda hb, ib: hb[ib])(h, top_idx)       # [B,N,K,D]
    rel_sel = jnp.take_along_axis(rel, top_idx[..., None], axis=2)  # [B,N,K,3]
    d_sel = jnp.take_along_axis(dist, top_idx, axis=2)        # [B,N,K]
    unit = rel_sel / (d_sel[..., None] + 1e-9)                # [B,N,K,3]

    pair = h[:, :, None, :] + h_sel                           # [B,N,K,D]
    e = jnp.tanh(pair @ We1 + be1) @ We2 + be2                # [B,N,K,E_OUT]
    e = e * attn[..., None]
    c_aniso = unit[..., :, None] * e[..., None, :]            # [B,N,K,3,E_OUT]
    c_aniso = c_aniso.reshape(c_aniso.shape[0], c_aniso.shape[1], -1, c_aniso.shape[4])
    return (c_iso, c_aniso)


def reference(species, coords, emb_table, W_rbf, W1, b1, W2, b2,
              Wp1, bp1, Wp2, bp2, Wq, Wk, We1, be1, We2, be2):
    return _forward(species, coords, emb_table, W_rbf, W1, b1, W2, b2,
                    Wp1, bp1, Wp2, bp2, Wq, Wk, We1, be1, We2, be2)

if __name__ == "__main__":
    import jax
    _d = setup_inputs()
    print(jax.jit(kernel)(*tuple(_d.values())))

</pallas_src>

<mosaic_0001>
#map = affine_map<(d0, d1) -> (0, 0)>
module attributes {stable_mosaic.version = 14 : i64} {
  func.func @_sc_embed(%arg0: i32, %arg1: i32, %arg2: memref<64x128xi32, #tpu.memory_space<hbm>>, %arg3: memref<100x128xf32, #tpu.memory_space<hbm>>, %arg4: memref<8192x128xf32, #tpu.memory_space<hbm>>, %arg5: memref<2x128xi32, #tpu.memory_space<vmem>>, %arg6: memref<256x128xf32, #tpu.memory_space<vmem>>, %arg7: memref<!tpu.dma_semaphore, #tpu.memory_space<semaphore_mem>>) attributes {dimension_semantics = [#tpu.dimension_semantics<core_parallel>, #tpu.dimension_semantics<subcore_parallel>], iteration_bounds = array<i64: 2, 16>, scalar_prefetch = 0 : i64, scratch_operands = 3 : i64, tpu.core_type = #tpu.core_type<sc_vector_subcore>, window_params = [{transform_indices = #map}, {transform_indices = #map}, {transform_indices = #map}]} {
    %mul3A = arith.constant 2 : i32
    %mul3A_0 = arith.muli %arg1, %mul3A : i32
    %add3A = arith.addi %mul3A_0, %arg0 : i32
    %mul3A_1 = arith.constant 2 : i32
    %mul3A_2 = arith.muli %add3A, %mul3A_1 : i32
    "tpu.region"() ({
      %run_scoped3A = tpu.sem_alloc : memref<!tpu.dma_semaphore, #tpu.memory_space<semaphore_mem>>
      %dma_start3A_43 = arith.constant 0 : i32
      %dma_start3A_44 = tpu.memref_slice %arg2[%mul3A_2, %dma_start3A_43] : memref<64x128xi32, #tpu.memory_space<hbm>> -> memref<2x128xi32, #tpu.memory_space<hbm>>
      %dma_start3A_45 = arith.constant 0 : i32
      %dma_start3A_46 = tpu.memref_slice %arg2[%mul3A_2, %dma_start3A_45] : memref<64x128xi32, #tpu.memory_space<hbm>> -> memref<2x128xi32, #tpu.memory_space<hbm>>
      tpu.enqueue_dma source(%dma_start3A_46 : memref<2x128xi32, #tpu.memory_space<hbm>>) target(%arg5 : memref<2x128xi32, #tpu.memory_space<vmem>>) target_semaphore(%run_scoped3A : memref<!tpu.dma_semaphore, #tpu.memory_space<semaphore_mem>>)
      %dma_wait3A_47 = arith.constant 0 : i32
      %dma_wait3A_48 = tpu.memref_slice %arg2[%mul3A_2, %dma_wait3A_47] : memref<64x128xi32, #tpu.memory_space<hbm>> -> memref<2x128xi32, #tpu.memory_space<hbm>>
      %dma_wait3A_49 = arith.constant 0 : i32
      %dma_wait3A_50 = tpu.memref_slice %arg2[%mul3A_2, %dma_wait3A_49] : memref<64x128xi32, #tpu.memory_space<hbm>> -> memref<2x128xi32, #tpu.memory_space<hbm>>
      tpu.wait_dma2 semaphore(%run_scoped3A : memref<!tpu.dma_semaphore, #tpu.memory_space<semaphore_mem>>) src(%dma_wait3A_50 : memref<2x128xi32, #tpu.memory_space<hbm>>) dst(%arg5 : memref<2x128xi32, #tpu.memory_space<vmem>>)
      tpu.yield
    }) : () -> ()
    %dma_start3A = arith.constant 0 : i32
    %dma_start3A_3 = arith.constant 0 : i32
    %dma_start3A_4 = arith.constant 0 : i32
    %dma_start3A_5 = tpu.memref_slice %arg6[%dma_start3A_3, %dma_start3A_4] : memref<256x128xf32, #tpu.memory_space<vmem>> -> memref<128x128xf32, #tpu.memory_space<vmem>>
    %dma_start3A_6 = arith.constant 0 : i32
    %dma_start3A_7 = tpu.memref_slice %arg5[%dma_start3A, %dma_start3A_6] : memref<2x128xi32, #tpu.memory_space<vmem>> -> memref<1x128xi32, #tpu.memory_space<vmem>>
    %dma_start3A_8 = tpu.memref_squeeze %dma_start3A_7 : memref<1x128xi32, #tpu.memory_space<vmem>> -> memref<128xi32, #tpu.memory_space<vmem>>
    %dma_start3A_9 = arith.constant 0 : i32
    %dma_start3A_10 = arith.constant 0 : i32
    %dma_start3A_11 = tpu.memref_slice %arg3[%dma_start3A_9, %dma_start3A_10] : memref<100x128xf32, #tpu.memory_space<hbm>> -> memref<100x128xf32, #tpu.memory_space<hbm>>
    tpu.enqueue_indirect_dma source(%dma_start3A_11 : memref<100x128xf32, #tpu.memory_space<hbm>>) target(%dma_start3A_5 : memref<128x128xf32, #tpu.memory_space<vmem>>) offsets(%dma_start3A_8 : memref<128xi32, #tpu.memory_space<vmem>>) semaphore(%arg7 : memref<!tpu.dma_semaphore, #tpu.memory_space<semaphore_mem>>)
    %dma_start3A_12 = arith.constant 1 : i32
    %dma_start3A_13 = arith.constant 128 : i32
    %dma_start3A_14 = arith.constant 0 : i32
    %dma_start3A_15 = tpu.memref_slice %arg6[%dma_start3A_13, %dma_start3A_14] : memref<256x128xf32, #tpu.memory_space<vmem>> -> memref<128x128xf32, #tpu.memory_space<vmem>>
    %dma_start3A_16 = arith.constant 0 : i32
    %dma_start3A_17 = tpu.memref_slice %arg5[%dma_start3A_12, %dma_start3A_16] : memref<2x128xi32, #tpu.memory_space<vmem>> -> memref<1x128xi32, #tpu.memory_space<vmem>>
    %dma_start3A_18 = tpu.memref_squeeze %dma_start3A_17 : memref<1x128xi32, #tpu.memory_space<vmem>> -> memref<128xi32, #tpu.memory_space<vmem>>
    %dma_start3A_19 = arith.constant 0 : i32
    %dma_start3A_20 = arith.constant 0 : i32
    %dma_start3A_21 = tpu.memref_slice %arg3[%dma_start3A_19, %dma_start3A_20] : memref<100x128xf32, #tpu.memory_space<hbm>> -> memref<100x128xf32, #tpu.memory_space<hbm>>
    tpu.enqueue_indirect_dma source(%dma_start3A_21 : memref<100x128xf32, #tpu.memory_space<hbm>>) target(%dma_start3A_15 : memref<128x128xf32, #tpu.memory_space<vmem>>) offsets(%dma_start3A_18 : memref<128xi32, #tpu.memory_space<vmem>>) semaphore(%arg7 : memref<!tpu.dma_semaphore, #tpu.memory_space<semaphore_mem>>)
    %dma_wait3A = arith.constant 0 : i32
    %dma_wait3A_22 = arith.constant 0 : i32
    %dma_wait3A_23 = arith.constant 0 : i32
    %dma_wait3A_24 = tpu.memref_slice %arg6[%dma_wait3A_22, %dma_wait3A_23] : memref<256x128xf32, #tpu.memory_space<vmem>> -> memref<128x128xf32, #tpu.memory_space<vmem>>
    %dma_wait3A_25 = arith.constant 0 : i32
    %dma_wait3A_26 = tpu.memref_slice %arg5[%dma_wait3A, %dma_wait3A_25] : memref<2x128xi32, #tpu.memory_space<vmem>> -> memref<1x128xi32, #tpu.memory_space<vmem>>
    %dma_wait3A_27 = tpu.memref_squeeze %dma_wait3A_26 : memref<1x128xi32, #tpu.memory_space<vmem>> -> memref<128xi32, #tpu.memory_space<vmem>>
    %dma_wait3A_28 = arith.constant 0 : i32
    %dma_wait3A_29 = arith.constant 0 : i32
    %dma_wait3A_30 = tpu.memref_slice %arg3[%dma_wait3A_28, %dma_wait3A_29] : memref<100x128xf32, #tpu.memory_space<hbm>> -> memref<100x128xf32, #tpu.memory_space<hbm>>
    tpu.wait_indirect_dma semaphore(%arg7 : memref<!tpu.dma_semaphore, #tpu.memory_space<semaphore_mem>>) src(%dma_wait3A_30 : memref<100x128xf32, #tpu.memory_space<hbm>>) dst(%dma_wait3A_24 : memref<128x128xf32, #tpu.memory_space<vmem>>)
    %dma_wait3A_31 = arith.constant 1 : i32
    %dma_wait3A_32 = arith.constant 128 : i32
    %dma_wait3A_33 = arith.constant 0 : i32
    %dma_wait3A_34 = tpu.memref_slice %arg6[%dma_wait3A_32, %dma_wait3A_33] : memref<256x128xf32, #tpu.memory_space<vmem>> -> memref<128x128xf32, #tpu.memory_space<vmem>>
    %dma_wait3A_35 = arith.constant 0 : i32
    %dma_wait3A_36 = tpu.memref_slice %arg5[%dma_wait3A_31, %dma_wait3A_35] : memref<2x128xi32, #tpu.memory_space<vmem>> -> memref<1x128xi32, #tpu.memory_space<vmem>>
    %dma_wait3A_37 = tpu.memref_squeeze %dma_wait3A_36 : memref<1x128xi32, #tpu.memory_space<vmem>> -> memref<128xi32, #tpu.memory_space<vmem>>
    %dma_wait3A_38 = arith.constant 0 : i32
    %dma_wait3A_39 = arith.constant 0 : i32
    %dma_wait3A_40 = tpu.memref_slice %arg3[%dma_wait3A_38, %dma_wait3A_39] : memref<100x128xf32, #tpu.memory_space<hbm>> -> memref<100x128xf32, #tpu.memory_space<hbm>>
    tpu.wait_indirect_dma semaphore(%arg7 : memref<!tpu.dma_semaphore, #tpu.memory_space<semaphore_mem>>) src(%dma_wait3A_40 : memref<100x128xf32, #tpu.memory_space<hbm>>) dst(%dma_wait3A_34 : memref<128x128xf32, #tpu.memory_space<vmem>>)
    %mul3A_41 = arith.constant 256 : i32
    %mul3A_42 = arith.muli %add3A, %mul3A_41 : i32
    "tpu.region"() ({
      %run_scoped3A = tpu.sem_alloc : memref<!tpu.dma_semaphore, #tpu.memory_space<semaphore_mem>>
      %dma_start3A_43 = arith.constant 0 : i32
      %dma_start3A_44 = tpu.memref_slice %arg4[%mul3A_42, %dma_start3A_43] : memref<8192x128xf32, #tpu.memory_space<hbm>> -> memref<256x128xf32, #tpu.memory_space<hbm>>
      %dma_start3A_45 = arith.constant 0 : i32
      %dma_start3A_46 = tpu.memref_slice %arg4[%mul3A_42, %dma_start3A_45] : memref<8192x128xf32, #tpu.memory_space<hbm>> -> memref<256x128xf32, #tpu.memory_space<hbm>>
      tpu.enqueue_dma source(%arg6 : memref<256x128xf32, #tpu.memory_space<vmem>>) target(%dma_start3A_46 : memref<256x128xf32, #tpu.memory_space<hbm>>) target_semaphore(%run_scoped3A : memref<!tpu.dma_semaphore, #tpu.memory_space<semaphore_mem>>)
      %dma_wait3A_47 = arith.constant 0 : i32
      %dma_wait3A_48 = tpu.memref_slice %arg4[%mul3A_42, %dma_wait3A_47] : memref<8192x128xf32, #tpu.memory_space<hbm>> -> memref<256x128xf32, #tpu.memory_space<hbm>>
      %dma_wait3A_49 = arith.constant 0 : i32
      %dma_wait3A_50 = tpu.memref_slice %arg4[%mul3A_42, %dma_wait3A_49] : memref<8192x128xf32, #tpu.memory_space<hbm>> -> memref<256x128xf32, #tpu.memory_space<hbm>>
      tpu.wait_dma2 semaphore(%run_scoped3A : memref<!tpu.dma_semaphore, #tpu.memory_space<semaphore_mem>>) src(%arg6 : memref<256x128xf32, #tpu.memory_space<vmem>>) dst(%dma_wait3A_50 : memref<256x128xf32, #tpu.memory_space<hbm>>)
      tpu.yield
    }) : () -> ()
    return
  }
}

module attributes {stable_mosaic.version = 14 : i64} {
  func.func @_mol_kernel(%arg0: i32, %arg1: memref<4x64x128xf32, #tpu.memory_space<vmem>>, %arg2: memref<4x64x3xf32, #tpu.memory_space<vmem>>, %arg3: memref<4x3x64xf32, #tpu.memory_space<vmem>>, %arg4: memref<16x128xf32, #tpu.memory_space<vmem>>, %arg5: memref<128x128xf32, #tpu.memory_space<vmem>>, %arg6: memref<1x128xf32, #tpu.memory_space<vmem>>, %arg7: memref<128x128xf32, #tpu.memory_space<vmem>>, %arg8: memref<1x128xf32, #tpu.memory_space<vmem>>, %arg9: memref<128x128xf32, #tpu.memory_space<vmem>>, %arg10: memref<1x128xf32, #tpu.memory_space<vmem>>, %arg11: memref<128x64xf32, #tpu.memory_space<vmem>>, %arg12: memref<1x64xf32, #tpu.memory_space<vmem>>, %arg13: memref<128x128xf32, #tpu.memory_space<vmem>>, %arg14: memref<128x128xf32, #tpu.memory_space<vmem>>, %arg15: memref<128x128xf32, #tpu.memory_space<vmem>>, %arg16: memref<1x128xf32, #tpu.memory_space<vmem>>, %arg17: memref<128x32xf32, #tpu.memory_space<vmem>>, %arg18: memref<1x32xf32, #tpu.memory_space<vmem>>, %arg19: memref<4x64x64xf32, #tpu.memory_space<vmem>>, %arg20: memref<4x64x16x96xf32, #tpu.memory_space<vmem>>) attributes {dimension_semantics = [#tpu.dimension_semantics<arbitrary>], iteration_bounds = array<i64: 32>, scalar_prefetch = 0 : i64, scratch_operands = 0 : i64, tpu.core_type = #tpu.core_type<tc>, window_params = [{transform_indices = @transform_0, window_bounds = array<i64: 4, 64, 128>}, {transform_indices = @transform_1, window_bounds = array<i64: 4, 64, 3>}, {transform_indices = @transform_2, window_bounds = array<i64: 4, 3, 64>}, {pipeline_mode = #tpu.pipeline_mode<synchronous>, transform_indices = @transform_3, window_bounds = array<i64: 16, 128>}, {pipeline_mode = #tpu.pipeline_mode<synchronous>, transform_indices = @transform_4, window_bounds = array<i64: 128, 128>}, {pipeline_mode = #tpu.pipeline_mode<synchronous>, transform_indices = @transform_5, window_bounds = array<i64: 1, 128>}, {pipeline_mode = #tpu.pipeline_mode<synchronous>, transform_indices = @transform_6, window_bounds = array<i64: 128, 128>}, {pipeline_mode = #tpu.pipeline_mode<synchronous>, transform_indices = @transform_7, window_bounds = array<i64: 1, 128>}, {pipeline_mode = #tpu.pipeline_mode<synchronous>, transform_indices = @transform_8, window_bounds = array<i64: 128, 128>}, {pipeline_mode = #tpu.pipeline_mode<synchronous>, transform_indices = @transform_9, window_bounds = array<i64: 1, 128>}, {pipeline_mode = #tpu.pipeline_mode<synchronous>, transform_indices = @transform_10, window_bounds = array<i64: 128, 64>}, {pipeline_mode = #tpu.pipeline_mode<synchronous>, transform_indices = @transform_11, window_bounds = array<i64: 1, 64>}, {pipeline_mode = #tpu.pipeline_mode<synchronous>, transform_indices = @transform_12, window_bounds = array<i64: 128, 128>}, {pipeline_mode = #tpu.pipeline_mode<synchronous>, transform_indices = @transform_13, window_bounds = array<i64: 128, 128>}, {pipeline_mode = #tpu.pipeline_mode<synchronous>, transform_indices = @transform_14, window_bounds = array<i64: 128, 128>}, {pipeline_mode = #tpu.pipeline_mode<synchronous>, transform_indices = @transform_15, window_bounds = array<i64: 1, 128>}, {pipeline_mode = #tpu.pipeline_mode<synchronous>, transform_indices = @transform_16, window_bounds = array<i64: 128, 32>}, {pipeline_mode = #tpu.pipeline_mode<synchronous>, transform_indices = @transform_17, window_bounds = array<i64: 1, 32>}, {transform_indices = @transform_18, window_bounds = array<i64: 4, 64, 64>}, {transform_indices = @transform_19, window_bounds = array<i64: 4, 64, 16, 96>}]} {
    %get3A = arith.constant 0 : index
    %get3A_0 = arith.constant 0 : index
    %get3A_1 = arith.constant 0 : index
    %get3A_2 = vector.load %arg1[%get3A, %get3A_0, %get3A_1] : memref<4x64x128xf32, #tpu.memory_space<vmem>>, vector<4x64x128xf32>
    %reshape3A = vector.shape_cast %get3A_2 : vector<4x64x128xf32> to vector<256x128xf32>
    %get3A_3 = arith.constant 0 : index
    %get3A_4 = arith.constant 0 : index
    %get3A_5 = arith.constant 0 : index
    %get3A_6 = vector.load %arg2[%get3A_3, %get3A_4, %get3A_5] : memref<4x64x3xf32, #tpu.memory_space<vmem>>, vector<4x64x3xf32>
    %get3A_7 = arith.constant 0 : index
    %get3A_8 = arith.constant 0 : index
    %get3A_9 = arith.constant 0 : index
    %get3A_10 = vector.load %arg3[%get3A_7, %get3A_8, %get3A_9] : memref<4x3x64xf32, #tpu.memory_space<vmem>>, vector<4x3x64xf32>
    %slice3A = vector.extract_strided_slice %get3A_6 {offsets = [0, 0, 0], sizes = [4, 64, 1], strides = [1, 1, 1]} : vector<4x64x3xf32> to vector<4x64x1xf32>
    %slice3A_11 = vector.extract_strided_slice %get3A_10 {offsets = [0, 0, 0], sizes = [4, 1, 64], strides = [1, 1, 1]} : vector<4x3x64xf32> to vector<4x1x64xf32>
    %sub3A = vector.broadcast %slice3A : vector<4x64x1xf32> to vector<4x64x64xf32>
    %sub3A_12 = vector.broadcast %slice3A_11 : vector<4x1x64xf32> to vector<4x64x64xf32>
    %sub3A_13 = arith.subf %sub3A, %sub3A_12 : vector<4x64x64xf32>
    %slice3A_14 = vector.extract_strided_slice %get3A_6 {offsets = [0, 0, 1], sizes = [4, 64, 1], strides = [1, 1, 1]} : vector<4x64x3xf32> to vector<4x64x1xf32>
    %slice3A_15 = vector.extract_strided_slice %get3A_10 {offsets = [0, 1, 0], sizes = [4, 1, 64], strides = [1, 1, 1]} : vector<4x3x64xf32> to vector<4x1x64xf32>
    %sub3A_16 = vector.broadcast %slice3A_14 : vector<4x64x1xf32> to vector<4x64x64xf32>
    %sub3A_17 = vector.broadcast %slice3A_15 : vector<4x1x64xf32> to vector<4x64x64xf32>
    %sub3A_18 = arith.subf %sub3A_16, %sub3A_17 : vector<4x64x64xf32>
    %slice3A_19 = vector.extract_strided_slice %get3A_6 {offsets = [0, 0, 2], sizes = [4, 64, 1], strides = [1, 1, 1]} : vector<4x64x3xf32> to vector<4x64x1xf32>
    %slice3A_20 = vector.extract_strided_slice %get3A_10 {offsets = [0, 2, 0], sizes = [4, 1, 64], strides = [1, 1, 1]} : vector<4x3x64xf32> to vector<4x1x64xf32>
    %sub3A_21 = vector.broadcast %slice3A_19 : vector<4x64x1xf32> to vector<4x64x64xf32>
    %sub3A_22 = vector.broadcast %slice3A_20 : vector<4x1x64xf32> to vector<4x64x64xf32>
    %sub3A_23 = arith.subf %sub3A_21, %sub3A_22 : vector<4x64x64xf32>
    %mul3A = arith.mulf %sub3A_13, %sub3A_13 : vector<4x64x64xf32>
    %mul3A_24 = arith.mulf %sub3A_23, %sub3A_23 : vector<4x64x64xf32>
    %add3A = arith.addf %mul3A, %mul3A_24 : vector<4x64x64xf32>
    %mul3A_25 = arith.mulf %sub3A_18, %sub3A_18 : vector<4x64x64xf32>
    %add3A_26 = arith.addf %add3A, %mul3A_25 : vector<4x64x64xf32>
    %add3A_27 = arith.constant 9.99999996E-13 : f32
    %add3A_28 = vector.broadcast %add3A_27 : f32 to vector<4x64x64xf32>
    %add3A_29 = arith.addf %add3A_26, %add3A_28 : vector<4x64x64xf32>
    %sqrt3A = math.sqrt %add3A_29 : vector<4x64x64xf32>
    %sub3A_30 = arith.constant 5.000000e-01 : f32
    %sub3A_31 = vector.broadcast %sub3A_30 : f32 to vector<4x64x64xf32>
    %sub3A_32 = arith.subf %sqrt3A, %sub3A_31 : vector<4x64x64xf32>
    %integer_pow3A = arith.mulf %sub3A_32, %sub3A_32 : vector<4x64x64xf32>
    %mul3A_33 = arith.constant -1.000000e+01 : f32
    %mul3A_34 = vector.broadcast %mul3A_33 : f32 to vector<4x64x64xf32>
    %mul3A_35 = arith.mulf %mul3A_34, %integer_pow3A : vector<4x64x64xf32>
    %exp3A = math.exp %mul3A_35 : vector<4x64x64xf32>
    %sub3A_36 = arith.constant 6.000000e-01 : f32
    %sub3A_37 = vector.broadcast %sub3A_36 : f32 to vector<4x64x64xf32>
    %sub3A_38 = arith.subf %sqrt3A, %sub3A_37 : vector<4x64x64xf32>
    %integer_pow3A_39 = arith.mulf %sub3A_38, %sub3A_38 : vector<4x64x64xf32>
    %mul3A_40 = arith.constant -1.000000e+01 : f32
    %mul3A_41 = vector.broadcast %mul3A_40 : f32 to vector<4x64x64xf32>
    %mul3A_42 = arith.mulf %mul3A_41, %integer_pow3A_39 : vector<4x64x64xf32>
    %exp3A_43 = math.exp %mul3A_42 : vector<4x64x64xf32>
    %sub3A_44 = arith.constant 0.700000048 : f32
    %sub3A_45 = vector.broadcast %sub3A_44 : f32 to vector<4x64x64xf32>
    %sub3A_46 = arith.subf %sqrt3A, %sub3A_45 : vector<4x64x64xf32>
    %integer_pow3A_47 = arith.mulf %sub3A_46, %sub3A_46 : vector<4x64x64xf32>
    %mul3A_48 = arith.constant -1.000000e+01 : f32
    %mul3A_49 = vector.broadcast %mul3A_48 : f32 to vector<4x64x64xf32>
    %mul3A_50 = arith.mulf %mul3A_49, %integer_pow3A_47 : vector<4x64x64xf32>
    %exp3A_51 = math.exp %mul3A_50 : vector<4x64x64xf32>
    %sub3A_52 = arith.constant 8.000000e-01 : f32
    %sub3A_53 = vector.broadcast %sub3A_52 : f32 to vector<4x64x64xf32>
    %sub3A_54 = arith.subf %sqrt3A, %sub3A_53 : vector<4x64x64xf32>
    %integer_pow3A_55 = arith.mulf %sub3A_54, %sub3A_54 : vector<4x64x64xf32>
    %mul3A_56 = arith.constant -1.000000e+01 : f32
    %mul3A_57 = vector.broadcast %mul3A_56 : f32 to vector<4x64x64xf32>
    %mul3A_58 = arith.mulf %mul3A_57, %integer_pow3A_55 : vector<4x64x64xf32>
    %exp3A_59 = math.exp %mul3A_58 : vector<4x64x64xf32>
    %sub3A_60 = arith.constant 0.900000035 : f32
    %sub3A_61 = vector.broadcast %sub3A_60 : f32 to vector<4x64x64xf32>
    %sub3A_62 = arith.subf %sqrt3A, %sub3A_61 : vector<4x64x64xf32>
    %integer_pow3A_63 = arith.mulf %sub3A_62, %sub3A_62 : vector<4x64x64xf32>
    %mul3A_64 = arith.constant -1.000000e+01 : f32
    %mul3A_65 = vector.broadcast %mul3A_64 : f32 to vector<4x64x64xf32>
    %mul3A_66 = arith.mulf %mul3A_65, %integer_pow3A_63 : vector<4x64x64xf32>
    %exp3A_67 = math.exp %mul3A_66 : vector<4x64x64xf32>
    %sub3A_68 = arith.constant 1.000000e+00 : f32
    %sub3A_69 = vector.broadcast %sub3A_68 : f32 to vector<4x64x64xf32>
    %sub3A_70 = arith.subf %sqrt3A, %sub3A_69 : vector<4x64x64xf32>
    %integer_pow3A_71 = arith.mulf %sub3A_70, %sub3A_70 : vector<4x64x64xf32>
    %mul3A_72 = arith.constant -1.000000e+01 : f32
    %mul3A_73 = vector.broadcast %mul3A_72 : f32 to vector<4x64x64xf32>
    %mul3A_74 = arith.mulf %mul3A_73, %integer_pow3A_71 : vector<4x64x64xf32>
    %exp3A_75 = math.exp %mul3A_74 : vector<4x64x64xf32>
    %sub3A_76 = arith.constant 1.100000e+00 : f32
    %sub3A_77 = vector.broadcast %sub3A_76 : f32 to vector<4x64x64xf32>
    %sub3A_78 = arith.subf %sqrt3A, %sub3A_77 : vector<4x64x64xf32>
    %integer_pow3A_79 = arith.mulf %sub3A_78, %sub3A_78 : vector<4x64x64xf32>
    %mul3A_80 = arith.constant -1.000000e+01 : f32
    %mul3A_81 = vector.broadcast %mul3A_80 : f32 to vector<4x64x64xf32>
    %mul3A_82 = arith.mulf %mul3A_81, %integer_pow3A_79 : vector<4x64x64xf32>
    %exp3A_83 = math.exp %mul3A_82 : vector<4x64x64xf32>
    %sub3A_84 = arith.constant 1.200000e+00 : f32
    %sub3A_85 = vector.broadcast %sub3A_84 : f32 to vector<4x64x64xf32>
    %sub3A_86 = arith.subf %sqrt3A, %sub3A_85 : vector<4x64x64xf32>
    %integer_pow3A_87 = arith.mulf %sub3A_86, %sub3A_86 : vector<4x64x64xf32>
    %mul3A_88 = arith.constant -1.000000e+01 : f32
    %mul3A_89 = vector.broadcast %mul3A_88 : f32 to vector<4x64x64xf32>
    %mul3A_90 = arith.mulf %mul3A_89, %integer_pow3A_87 : vector<4x64x64xf32>
    %exp3A_91 = math.exp %mul3A_90 : vector<4x64x64xf32>
    %sub3A_92 = arith.constant 1.30000007 : f32
    %sub3A_93 = vector.broadcast %sub3A_92 : f32 to vector<4x64x64xf32>
    %sub3A_94 = arith.subf %sqrt3A, %sub3A_93 : vector<4x64x64xf32>
    %integer_pow3A_95 = arith.mulf %sub3A_94, %sub3A_94 : vector<4x64x64xf32>
    %mul3A_96 = arith.constant -1.000000e+01 : f32
    %mul3A_97 = vector.broadcast %mul3A_96 : f32 to vector<4x64x64xf32>
    %mul3A_98 = arith.mulf %mul3A_97, %integer_pow3A_95 : vector<4x64x64xf32>
    %exp3A_99 = math.exp %mul3A_98 : vector<4x64x64xf32>
    %sub3A_100 = arith.constant 1.4000001 : f32
    %sub3A_101 = vector.broadcast %sub3A_100 : f32 to vector<4x64x64xf32>
    %sub3A_102 = arith.subf %sqrt3A, %sub3A_101 : vector<4x64x64xf32>
    %integer_pow3A_103 = arith.mulf %sub3A_102, %sub3A_102 : vector<4x64x64xf32>
    %mul3A_104 = arith.constant -1.000000e+01 : f32
    %mul3A_105 = vector.broadcast %mul3A_104 : f32 to vector<4x64x64xf32>
    %mul3A_106 = arith.mulf %mul3A_105, %integer_pow3A_103 : vector<4x64x64xf32>
    %exp3A_107 = math.exp %mul3A_106 : vector<4x64x64xf32>
    %sub3A_108 = arith.constant 1.500000e+00 : f32
    %sub3A_109 = vector.broadcast %sub3A_108 : f32 to vector<4x64x64xf32>
    %sub3A_110 = arith.subf %sqrt3A, %sub3A_109 : vector<4x64x64xf32>
    %integer_pow3A_111 = arith.mulf %sub3A_110, %sub3A_110 : vector<4x64x64xf32>
    %mul3A_112 = arith.constant -1.000000e+01 : f32
    %mul3A_113 = vector.broadcast %mul3A_112 : f32 to vector<4x64x64xf32>
    %mul3A_114 = arith.mulf %mul3A_113, %integer_pow3A_111 : vector<4x64x64xf32>
    %exp3A_115 = math.exp %mul3A_114 : vector<4x64x64xf32>
    %sub3A_116 = arith.constant 1.600000e+00 : f32
    %sub3A_117 = vector.broadcast %sub3A_116 : f32 to vector<4x64x64xf32>
    %sub3A_118 = arith.subf %sqrt3A, %sub3A_117 : vector<4x64x64xf32>
    %integer_pow3A_119 = arith.mulf %sub3A_118, %sub3A_118 : vector<4x64x64xf32>
    %mul3A_120 = arith.constant -1.000000e+01 : f32
    %mul3A_121 = vector.broadcast %mul3A_120 : f32 to vector<4x64x64xf32>
    %mul3A_122 = arith.mulf %mul3A_121, %integer_pow3A_119 : vector<4x64x64xf32>
    %exp3A_123 = math.exp %mul3A_122 : vector<4x64x64xf32>
    %sub3A_124 = arith.constant 1.700000e+00 : f32
    %sub3A_125 = vector.broadcast %sub3A_124 : f32 to vector<4x64x64xf32>
    %sub3A_126 = arith.subf %sqrt3A, %sub3A_125 : vector<4x64x64xf32>
    %integer_pow3A_127 = arith.mulf %sub3A_126, %sub3A_126 : vector<4x64x64xf32>
    %mul3A_128 = arith.constant -1.000000e+01 : f32
    %mul3A_129 = vector.broadcast %mul3A_128 : f32 to vector<4x64x64xf32>
    %mul3A_130 = arith.mulf %mul3A_129, %integer_pow3A_127 : vector<4x64x64xf32>
    %exp3A_131 = math.exp %mul3A_130 : vector<4x64x64xf32>
    %sub3A_132 = arith.constant 1.80000007 : f32
    %sub3A_133 = vector.broadcast %sub3A_132 : f32 to vector<4x64x64xf32>
    %sub3A_134 = arith.subf %sqrt3A, %sub3A_133 : vector<4x64x64xf32>
    %integer_pow3A_135 = arith.mulf %sub3A_134, %sub3A_134 : vector<4x64x64xf32>
    %mul3A_136 = arith.constant -1.000000e+01 : f32
    %mul3A_137 = vector.broadcast %mul3A_136 : f32 to vector<4x64x64xf32>
    %mul3A_138 = arith.mulf %mul3A_137, %integer_pow3A_135 : vector<4x64x64xf32>
    %exp3A_139 = math.exp %mul3A_138 : vector<4x64x64xf32>
    %sub3A_140 = arith.constant 1.9000001 : f32
    %sub3A_141 = vector.broadcast %sub3A_140 : f32 to vector<4x64x64xf32>
    %sub3A_142 = arith.subf %sqrt3A, %sub3A_141 : vector<4x64x64xf32>
    %integer_pow3A_143 = arith.mulf %sub3A_142, %sub3A_142 : vector<4x64x64xf32>
    %mul3A_144 = arith.constant -1.000000e+01 : f32
    %mul3A_145 = vector.broadcast %mul3A_144 : f32 to vector<4x64x64xf32>
    %mul3A_146 = arith.mulf %mul3A_145, %integer_pow3A_143 : vector<4x64x64xf32>
    %exp3A_147 = math.exp %mul3A_146 : vector<4x64x64xf32>
    %sub3A_148 = arith.constant 2.000000e+00 : f32
    %sub3A_149 = vector.broadcast %sub3A_148 : f32 to vector<4x64x64xf32>
    %sub3A_150 = arith.subf %sqrt3A, %sub3A_149 : vector<4x64x64xf32>
    %integer_pow3A_151 = arith.mulf %sub3A_150, %sub3A_150 : vector<4x64x64xf32>
    %mul3A_152 = arith.constant -1.000000e+01 : f32
    %mul3A_153 = vector.broadcast %mul3A_152 : f32 to vector<4x64x64xf32>
    %mul3A_154 = arith.mulf %mul3A_153, %integer_pow3A_151 : vector<4x64x64xf32>
    %exp3A_155 = math.exp %mul3A_154 : vector<4x64x64xf32>
    %concatenate3A = tpu.concatenate %exp3A, %exp3A_43, %exp3A_51, %exp3A_59, %exp3A_67, %exp3A_75, %exp3A_83, %exp3A_91, %exp3A_99, %exp3A_107, %exp3A_115, %exp3A_123, %exp3A_131, %exp3A_139, %exp3A_147, %exp3A_155 in 1 : vector<4x64x64xf32>, vector<4x64x64xf32>, vector<4x64x64xf32>, vector<4x64x64xf32>, vector<4x64x64xf32>, vector<4x64x64xf32>, vector<4x64x64xf32>, vector<4x64x64xf32>, vector<4x64x64xf32>, vector<4x64x64xf32>, vector<4x64x64xf32>, vector<4x64x64xf32>, vector<4x64x64xf32>, vector<4x64x64xf32>, vector<4x64x64xf32>, vector<4x64x64xf32> -> vector<4x1024x64xf32>
    %get3A_156 = arith.constant 0 : index
    %get3A_157 = arith.constant 0 : index
    %get3A_158 = vector.load %arg4[%get3A_156, %get3A_157] : memref<16x128xf32, #tpu.memory_space<vmem>>, vector<16x128xf32>
    %get3A_159 = arith.constant 0 : index
    %get3A_160 = arith.constant 0 : index
    %get3A_161 = vector.load %arg5[%get3A_159, %get3A_160] : memref<128x128xf32, #tpu.memory_space<vmem>>, vector<128x128xf32>
    %get3A_162 = arith.constant 0 : index
    %get3A_163 = arith.constant 0 : index
    %get3A_164 = vector.load %arg6[%get3A_162, %get3A_163] : memref<1x128xf32, #tpu.memory_space<vmem>>, vector<1x128xf32>
    %get3A_165 = arith.constant 0 : index
    %get3A_166 = arith.constant 0 : index
    %get3A_167 = vector.load %arg7[%get3A_165, %get3A_166] : memref<128x128xf32, #tpu.memory_space<vmem>>, vector<128x128xf32>
    %get3A_168 = arith.constant 0 : index
    %get3A_169 = arith.constant 0 : index
    %get3A_170 = vector.load %arg8[%get3A_168, %get3A_169] : memref<1x128xf32, #tpu.memory_space<vmem>>, vector<1x128xf32>
    %reshape3A_171 = vector.shape_cast %reshape3A : vector<256x128xf32> to vector<4x64x128xf32>
    %slice3A_172 = vector.extract_strided_slice %concatenate3A {offsets = [0, 0, 0], sizes = [1, 1024, 64], strides = [1, 1, 1]} : vector<4x1024x64xf32> to vector<1x1024x64xf32>
    %squeeze3A = vector.shape_cast %slice3A_172 : vector<1x1024x64xf32> to vector<1024x64xf32>
    %slice3A_173 = vector.extract_strided_slice %reshape3A_171 {offsets = [0, 0, 0], sizes = [1, 64, 128], strides = [1, 1, 1]} : vector<4x64x128xf32> to vector<1x64x128xf32>
    %squeeze3A_174 = vector.shape_cast %slice3A_173 : vector<1x64x128xf32> to vector<64x128xf32>
    %dot_general3A = arith.constant dense<0.000000e+00> : vector<1024x128xf32>
    %dot_general3A_175 = tpu.matmul %squeeze3A, %squeeze3A_174, %dot_general3A {dimension_numbers = #tpu.dot_dimension_numbers<[1], [0], [0], [1], [0, 0, 1, 1], [], []>, transpose_lhs_hint = false} : vector<1024x64xf32>, vector<64x128xf32>, vector<1024x128xf32> -> vector<1024x128xf32>
    %slice3A_176 = vector.extract_strided_slice %concatenate3A {offsets = [1, 0, 0], sizes = [1, 1024, 64], strides = [1, 1, 1]} : vector<4x1024x64xf32> to vector<1x1024x64xf32>
    %squeeze3A_177 = vector.shape_cast %slice3A_176 : vector<1x1024x64xf32> to vector<1024x64xf32>
    %slice3A_178 = vector.extract_strided_slice %reshape3A_171 {offsets = [1, 0, 0], sizes = [1, 64, 128], strides = [1, 1, 1]} : vector<4x64x128xf32> to vector<1x64x128xf32>
    %squeeze3A_179 = vector.shape_cast %slice3A_178 : vector<1x64x128xf32> to vector<64x128xf32>
    %dot_general3A_180 = arith.constant dense<0.000000e+00> : vector<1024x128xf32>
    %dot_general3A_181 = tpu.matmul %squeeze3A_177, %squeeze3A_179, %dot_general3A_180 {dimension_numbers = #tpu.dot_dimension_numbers<[1], [0], [0], [1], [0, 0, 1, 1], [], []>, transpose_lhs_hint = false} : vector<1024x64xf32>, vector<64x128xf32>, vector<1024x128xf32> -> vector<1024x128xf32>
    %slice3A_182 = vector.extract_strided_slice %concatenate3A {offsets = [2, 0, 0], sizes = [1, 1024, 64], strides = [1, 1, 1]} : vector<4x1024x64xf32> to vector<1x1024x64xf32>
    %squeeze3A_183 = vector.shape_cast %slice3A_182 : vector<1x1024x64xf32> to vector<1024x64xf32>
    %slice3A_184 = vector.extract_strided_slice %reshape3A_171 {offsets = [2, 0, 0], sizes = [1, 64, 128], strides = [1, 1, 1]} : vector<4x64x128xf32> to vector<1x64x128xf32>
    %squeeze3A_185 = vector.shape_cast %slice3A_184 : vector<1x64x128xf32> to vector<64x128xf32>
    %dot_general3A_186 = arith.constant dense<0.000000e+00> : vector<1024x128xf32>
    %dot_general3A_187 = tpu.matmul %squeeze3A_183, %squeeze3A_185, %dot_general3A_186 {dimension_numbers = #tpu.dot_dimension_numbers<[1], [0], [0], [1], [0, 0, 1, 1], [], []>, transpose_lhs_hint = false} : vector<1024x64xf32>, vector<64x128xf32>, vector<1024x128xf32> -> vector<1024x128xf32>
    %slice3A_188 = vector.extract_strided_slice %concatenate3A {offsets = [3, 0, 0], sizes = [1, 1024, 64], strides = [1, 1, 1]} : vector<4x1024x64xf32> to vector<1x1024x64xf32>
    %squeeze3A_189 = vector.shape_cast %slice3A_188 : vector<1x1024x64xf32> to vector<1024x64xf32>
    %slice3A_190 = vector.extract_strided_slice %reshape3A_171 {offsets = [3, 0, 0], sizes = [1, 64, 128], strides = [1, 1, 1]} : vector<4x64x128xf32> to vector<1x64x128xf32>
    %squeeze3A_191 = vector.shape_cast %slice3A_190 : vector<1x64x128xf32> to vector<64x128xf32>
    %dot_general3A_192 = arith.constant dense<0.000000e+00> : vector<1024x128xf32>
    %dot_general3A_193 = tpu.matmul %squeeze3A_189, %squeeze3A_191, %dot_general3A_192 {dimension_numbers = #tpu.dot_dimension_numbers<[1], [0], [0], [1], [0, 0, 1, 1], [], []>, transpose_lhs_hint = false} : vector<1024x64xf32>, vector<64x128xf32>, vector<1024x128xf32> -> vector<1024x128xf32>
    %stack3A = vector.shape_cast %dot_general3A_175 : vector<1024x128xf32> to vector<1x1024x128xf32>
    %stack3A_194 = vector.shape_cast %dot_general3A_181 : vector<1024x128xf32> to vector<1x1024x128xf32>
    %stack3A_195 = vector.shape_cast %dot_general3A_187 : vector<1024x128xf32> to vector<1x1024x128xf32>
    %stack3A_196 = vector.shape_cast %dot_general3A_193 : vector<1024x128xf32> to vector<1x1024x128xf32>
    %stack3A_197 = tpu.concatenate %stack3A, %stack3A_194, %stack3A_195, %stack3A_196 in 0 : vector<1x1024x128xf32>, vector<1x1024x128xf32>, vector<1x1024x128xf32>, vector<1x1024x128xf32> -> vector<4x1024x128xf32>
    %reshape3A_198 = vector.shape_cast %stack3A_197 : vector<4x1024x128xf32> to vector<4x16x64x128xf32>
    %slice3A_199 = vector.extract_strided_slice %reshape3A_198 {offsets = [0, 0, 0, 0], sizes = [4, 1, 64, 128], strides = [1, 1, 1, 1]} : vector<4x16x64x128xf32> to vector<4x1x64x128xf32>
    %squeeze3A_200 = vector.shape_cast %slice3A_199 : vector<4x1x64x128xf32> to vector<4x64x128xf32>
    %slice3A_201 = vector.extract_strided_slice %get3A_158 {offsets = [0, 0], sizes = [1, 128], strides = [1, 1]} : vector<16x128xf32> to vector<1x128xf32>
    %broadcast_in_dim3A = vector.shape_cast %slice3A_201 : vector<1x128xf32> to vector<1x1x128xf32>
    %mul3A_202 = vector.broadcast %broadcast_in_dim3A : vector<1x1x128xf32> to vector<4x64x128xf32>
    %mul3A_203 = arith.mulf %squeeze3A_200, %mul3A_202 : vector<4x64x128xf32>
    %slice3A_204 = vector.extract_strided_slice %reshape3A_198 {offsets = [0, 1, 0, 0], sizes = [4, 1, 64, 128], strides = [1, 1, 1, 1]} : vector<4x16x64x128xf32> to vector<4x1x64x128xf32>
    %squeeze3A_205 = vector.shape_cast %slice3A_204 : vector<4x1x64x128xf32> to vector<4x64x128xf32>
    %slice3A_206 = vector.extract_strided_slice %get3A_158 {offsets = [1, 0], sizes = [1, 128], strides = [1, 1]} : vector<16x128xf32> to vector<1x128xf32>
    %broadcast_in_dim3A_207 = vector.shape_cast %slice3A_206 : vector<1x128xf32> to vector<1x1x128xf32>
    %mul3A_208 = vector.broadcast %broadcast_in_dim3A_207 : vector<1x1x128xf32> to vector<4x64x128xf32>
    %mul3A_209 = arith.mulf %squeeze3A_205, %mul3A_208 : vector<4x64x128xf32>
    %slice3A_210 = vector.extract_strided_slice %reshape3A_198 {offsets = [0, 2, 0, 0], sizes = [4, 1, 64, 128], strides = [1, 1, 1, 1]} : vector<4x16x64x128xf32> to vector<4x1x64x128xf32>
    %squeeze3A_211 = vector.shape_cast %slice3A_210 : vector<4x1x64x128xf32> to vector<4x64x128xf32>
    %slice3A_212 = vector.extract_strided_slice %get3A_158 {offsets = [2, 0], sizes = [1, 128], strides = [1, 1]} : vector<16x128xf32> to vector<1x128xf32>
    %broadcast_in_dim3A_213 = vector.shape_cast %slice3A_212 : vector<1x128xf32> to vector<1x1x128xf32>
    %mul3A_214 = vector.broadcast %broadcast_in_dim3A_213 : vector<1x1x128xf32> to vector<4x64x128xf32>
    %mul3A_215 = arith.mulf %squeeze3A_211, %mul3A_214 : vector<4x64x128xf32>
    %slice3A_216 = vector.extract_strided_slice %reshape3A_198 {offsets = [0, 3, 0, 0], sizes = [4, 1, 64, 128], strides = [1, 1, 1, 1]} : vector<4x16x64x128xf32> to vector<4x1x64x128xf32>
    %squeeze3A_217 = vector.shape_cast %slice3A_216 : vector<4x1x64x128xf32> to vector<4x64x128xf32>
    %slice3A_218 = vector.extract_strided_slice %get3A_158 {offsets = [3, 0], sizes = [1, 128], strides = [1, 1]} : vector<16x128xf32> to vector<1x128xf32>
    %broadcast_in_dim3A_219 = vector.shape_cast %slice3A_218 : vector<1x128xf32> to vector<1x1x128xf32>
    %mul3A_220 = vector.broadcast %broadcast_in_dim3A_219 : vector<1x1x128xf32> to vector<4x64x128xf32>
    %mul3A_221 = arith.mulf %squeeze3A_217, %mul3A_220 : vector<4x64x128xf32>
    %slice3A_222 = vector.extract_strided_slice %reshape3A_198 {offsets = [0, 4, 0, 0], sizes = [4, 1, 64, 128], strides = [1, 1, 1, 1]} : vector<4x16x64x128xf32> to vector<4x1x64x128xf32>
    %squeeze3A_223 = vector.shape_cast %slice3A_222 : vector<4x1x64x128xf32> to vector<4x64x128xf32>
    %slice3A_224 = vector.extract_strided_slice %get3A_158 {offsets = [4, 0], sizes = [1, 128], strides = [1, 1]} : vector<16x128xf32> to vector<1x128xf32>
    %broadcast_in_dim3A_225 = vector.shape_cast %slice3A_224 : vector<1x128xf32> to vector<1x1x128xf32>
    %mul3A_226 = vector.broadcast %broadcast_in_dim3A_225 : vector<1x1x128xf32> to vector<4x64x128xf32>
    %mul3A_227 = arith.mulf %squeeze3A_223, %mul3A_226 : vector<4x64x128xf32>
    %slice3A_228 = vector.extract_strided_slice %reshape3A_198 {offsets = [0, 5, 0, 0], sizes = [4, 1, 64, 128], strides = [1, 1, 1, 1]} : vector<4x16x64x128xf32> to vector<4x1x64x128xf32>
    %squeeze3A_229 = vector.shape_cast %slice3A_228 : vector<4x1x64x128xf32> to vector<4x64x128xf32>
    %slice3A_230 = vector.extract_strided_slice %get3A_158 {offsets = [5, 0], sizes = [1, 128], strides = [1, 1]} : vector<16x128xf32> to vector<1x128xf32>
    %broadcast_in_dim3A_231 = vector.shape_cast %slice3A_230 : vector<1x128xf32> to vector<1x1x128xf32>
    %mul3A_232 = vector.broadcast %broadcast_in_dim3A_231 : vector<1x1x128xf32> to vector<4x64x128xf32>
    %mul3A_233 = arith.mulf %squeeze3A_229, %mul3A_232 : vector<4x64x128xf32>
    %slice3A_234 = vector.extract_strided_slice %reshape3A_198 {offsets = [0, 6, 0, 0], sizes = [4, 1, 64, 128], strides = [1, 1, 1, 1]} : vector<4x16x64x128xf32> to vector<4x1x64x128xf32>
    %squeeze3A_235 = vector.shape_cast %slice3A_234 : vector<4x1x64x128xf32> to vector<4x64x128xf32>
    %slice3A_236 = vector.extract_strided_slice %get3A_158 {offsets = [6, 0], sizes = [1, 128], strides = [1, 1]} : vector<16x128xf32> to vector<1x128xf32>
    %broadcast_in_dim3A_237 = vector.shape_cast %slice3A_236 : vector<1x128xf32> to vector<1x1x128xf32>
    %mul3A_238 = vector.broadcast %broadcast_in_dim3A_237 : vector<1x1x128xf32> to vector<4x64x128xf32>
    %mul3A_239 = arith.mulf %squeeze3A_235, %mul3A_238 : vector<4x64x128xf32>
    %slice3A_240 = vector.extract_strided_slice %reshape3A_198 {offsets = [0, 7, 0, 0], sizes = [4, 1, 64, 128], strides = [1, 1, 1, 1]} : vector<4x16x64x128xf32> to vector<4x1x64x128xf32>
    %squeeze3A_241 = vector.shape_cast %slice3A_240 : vector<4x1x64x128xf32> to vector<4x64x128xf32>
    %slice3A_242 = vector.extract_strided_slice %get3A_158 {offsets = [7, 0], sizes = [1, 128], strides = [1, 1]} : vector<16x128xf32> to vector<1x128xf32>
    %broadcast_in_dim3A_243 = vector.shape_cast %slice3A_242 : vector<1x128xf32> to vector<1x1x128xf32>
    %mul3A_244 = vector.broadcast %broadcast_in_dim3A_243 : vector<1x1x128xf32> to vector<4x64x128xf32>
    %mul3A_245 = arith.mulf %squeeze3A_241, %mul3A_244 : vector<4x64x128xf32>
    %slice3A_246 = vector.extract_strided_slice %reshape3A_198 {offsets = [0, 8, 0, 0], sizes = [4, 1, 64, 128], strides = [1, 1, 1, 1]} : vector<4x16x64x128xf32> to vector<4x1x64x128xf32>
    %squeeze3A_247 = vector.shape_cast %slice3A_246 : vector<4x1x64x128xf32> to vector<4x64x128xf32>
    %slice3A_248 = vector.extract_strided_slice %get3A_158 {offsets = [8, 0], sizes = [1, 128], strides = [1, 1]} : vector<16x128xf32> to vector<1x128xf32>
    %broadcast_in_dim3A_249 = vector.shape_cast %slice3A_248 : vector<1x128xf32> to vector<1x1x128xf32>
    %mul3A_250 = vector.broadcast %broadcast_in_dim3A_249 : vector<1x1x128xf32> to vector<4x64x128xf32>
    %mul3A_251 = arith.mulf %squeeze3A_247, %mul3A_250 : vector<4x64x128xf32>
    %slice3A_252 = vector.extract_strided_slice %reshape3A_198 {offsets = [0, 9, 0, 0], sizes = [4, 1, 64, 128], strides = [1, 1, 1, 1]} : vector<4x16x64x128xf32> to vector<4x1x64x128xf32>
    %squeeze3A_253 = vector.shape_cast %slice3A_252 : vector<4x1x64x128xf32> to vector<4x64x128xf32>
    %slice3A_254 = vector.extract_strided_slice %get3A_158 {offsets = [9, 0], sizes = [1, 128], strides = [1, 1]} : vector<16x128xf32> to vector<1x128xf32>
    %broadcast_in_dim3A_255 = vector.shape_cast %slice3A_254 : vector<1x128xf32> to vector<1x1x128xf32>
    %mul3A_256 = vector.broadcast %broadcast_in_dim3A_255 : vector<1x1x128xf32> to vector<4x64x128xf32>
    %mul3A_257 = arith.mulf %squeeze3A_253, %mul3A_256 : vector<4x64x128xf32>
    %slice3A_258 = vector.extract_strided_slice %reshape3A_198 {offsets = [0, 10, 0, 0], sizes = [4, 1, 64, 128], strides = [1, 1, 1, 1]} : vector<4x16x64x128xf32> to vector<4x1x64x128xf32>
    %squeeze3A_259 = vector.shape_cast %slice3A_258 : vector<4x1x64x128xf32> to vector<4x64x128xf32>
    %slice3A_260 = vector.extract_strided_slice %get3A_158 {offsets = [10, 0], sizes = [1, 128], strides = [1, 1]} : vector<16x128xf32> to vector<1x128xf32>
    %broadcast_in_dim3A_261 = vector.shape_cast %slice3A_260 : vector<1x128xf32> to vector<1x1x128xf32>
    %mul3A_262 = vector.broadcast %broadcast_in_dim3A_261 : vector<1x1x128xf32> to vector<4x64x128xf32>
    %mul3A_263 = arith.mulf %squeeze3A_259, %mul3A_262 : vector<4x64x128xf32>
    %slice3A_264 = vector.extract_strided_slice %reshape3A_198 {offsets = [0, 11, 0, 0], sizes = [4, 1, 64, 128], strides = [1, 1, 1, 1]} : vector<4x16x64x128xf32> to vector<4x1x64x128xf32>
    %squeeze3A_265 = vector.shape_cast %slice3A_264 : vector<4x1x64x128xf32> to vector<4x64x128xf32>
    %slice3A_266 = vector.extract_strided_slice %get3A_158 {offsets = [11, 0], sizes = [1, 128], strides = [1, 1]} : vector<16x128xf32> to vector<1x128xf32>
    %broadcast_in_dim3A_267 = vector.shape_cast %slice3A_266 : vector<1x128xf32> to vector<1x1x128xf32>
    %mul3A_268 = vector.broadcast %broadcast_in_dim3A_267 : vector<1x1x128xf32> to vector<4x64x128xf32>
    %mul3A_269 = arith.mulf %squeeze3A_265, %mul3A_268 : vector<4x64x128xf32>
    %slice3A_270 = vector.extract_strided_slice %reshape3A_198 {offsets = [0, 12, 0, 0], sizes = [4, 1, 64, 128], strides = [1, 1, 1, 1]} : vector<4x16x64x128xf32> to vector<4x1x64x128xf32>
    %squeeze3A_271 = vector.shape_cast %slice3A_270 : vector<4x1x64x128xf32> to vector<4x64x128xf32>
    %slice3A_272 = vector.extract_strided_slice %get3A_158 {offsets = [12, 0], sizes = [1, 128], strides = [1, 1]} : vector<16x128xf32> to vector<1x128xf32>
    %broadcast_in_dim3A_273 = vector.shape_cast %slice3A_272 : vector<1x128xf32> to vector<1x1x128xf32>
    %mul3A_274 = vector.broadcast %broadcast_in_dim3A_273 : vector<1x1x128xf32> to vector<4x64x128xf32>
    %mul3A_275 = arith.mulf %squeeze3A_271, %mul3A_274 : vector<4x64x128xf32>
    %slice3A_276 = vector.extract_strided_slice %reshape3A_198 {offsets = [0, 13, 0, 0], sizes = [4, 1, 64, 128], strides = [1, 1, 1, 1]} : vector<4x16x64x128xf32> to vector<4x1x64x128xf32>
    %squeeze3A_277 = vector.shape_cast %slice3A_276 : vector<4x1x64x128xf32> to vector<4x64x128xf32>
    %slice3A_278 = vector.extract_strided_slice %get3A_158 {offsets = [13, 0], sizes = [1, 128], strides = [1, 1]} : vector<16x128xf32> to vector<1x128xf32>
    %broadcast_in_dim3A_279 = vector.shape_cast %slice3A_278 : vector<1x128xf32> to vector<1x1x128xf32>
    %mul3A_280 = vector.broadcast %broadcast_in_dim3A_279 : vector<1x1x128xf32> to vector<4x64x128xf32>
    %mul3A_281 = arith.mulf %squeeze3A_277, %mul3A_280 : vector<4x64x128xf32>
    %slice3A_282 = vector.extract_strided_slice %reshape3A_198 {offsets = [0, 14, 0, 0], sizes = [4, 1, 64, 128], strides = [1, 1, 1, 1]} : vector<4x16x64x128xf32> to vector<4x1x64x128xf32>
    %squeeze3A_283 = vector.shape_cast %slice3A_282 : vector<4x1x64x128xf32> to vector<4x64x128xf32>
    %slice3A_284 = vector.extract_strided_slice %get3A_158 {offsets = [14, 0], sizes = [1, 128], strides = [1, 1]} : vector<16x128xf32> to vector<1x128xf32>
    %broadcast_in_dim3A_285 = vector.shape_cast %slice3A_284 : vector<1x128xf32> to vector<1x1x128xf32>
    %mul3A_286 = vector.broadcast %broadcast_in_dim3A_285 : vector<1x1x128xf32> to vector<4x64x128xf32>
    %mul3A_287 = arith.mulf %squeeze3A_283, %mul3A_286 : vector<4x64x128xf32>
    %slice3A_288 = vector.extract_strided_slice %reshape3A_198 {offsets = [0, 15, 0, 0], sizes = [4, 1, 64, 128], strides = [1, 1, 1, 1]} : vector<4x16x64x128xf32> to vector<4x1x64x128xf32>
    %squeeze3A_289 = vector.shape_cast %slice3A_288 : vector<4x1x64x128xf32> to vector<4x64x128xf32>
    %slice3A_290 = vector.extract_strided_slice %get3A_158 {offsets = [15, 0], sizes = [1, 128], strides = [1, 1]} : vector<16x128xf32> to vector<1x128xf32>
    %broadcast_in_dim3A_291 = vector.shape_cast %slice3A_290 : vector<1x128xf32> to vector<1x1x128xf32>
    %mul3A_292 = vector.broadcast %broadcast_in_dim3A_291 : vector<1x1x128xf32> to vector<4x64x128xf32>
    %mul3A_293 = arith.mulf %squeeze3A_289, %mul3A_292 : vector<4x64x128xf32>
    %add3A_294 = arith.addf %mul3A_203, %mul3A_251 : vector<4x64x128xf32>
    %add3A_295 = arith.addf %mul3A_209, %mul3A_257 : vector<4x64x128xf32>
    %add3A_296 = arith.addf %mul3A_215, %mul3A_263 : vector<4x64x128xf32>
    %add3A_297 = arith.addf %mul3A_221, %mul3A_269 : vector<4x64x128xf32>
    %add3A_298 = arith.addf %mul3A_227, %mul3A_275 : vector<4x64x128xf32>
    %add3A_299 = arith.addf %mul3A_233, %mul3A_281 : vector<4x64x128xf32>
    %add3A_300 = arith.addf %mul3A_239, %mul3A_287 : vector<4x64x128xf32>
    %add3A_301 = arith.addf %mul3A_245, %mul3A_293 : vector<4x64x128xf32>
    %add3A_302 = arith.addf %add3A_294, %add3A_298 : vector<4x64x128xf32>
    %add3A_303 = arith.addf %add3A_295, %add3A_299 : vector<4x64x128xf32>
    %add3A_304 = arith.addf %add3A_296, %add3A_300 : vector<4x64x128xf32>
    %add3A_305 = arith.addf %add3A_297, %add3A_301 : vector<4x64x128xf32>
    %add3A_306 = arith.addf %add3A_302, %add3A_304 : vector<4x64x128xf32>
    %add3A_307 = arith.addf %add3A_303, %add3A_305 : vector<4x64x128xf32>
    %add3A_308 = arith.addf %add3A_306, %add3A_307 : vector<4x64x128xf32>
    %reshape3A_309 = vector.shape_cast %add3A_308 : vector<4x64x128xf32> to vector<256x128xf32>
    %dot_general3A_310 = arith.constant dense<0.000000e+00> : vector<256x128xf32>
    %dot_general3A_311 = tpu.matmul %reshape3A_309, %get3A_161, %dot_general3A_310 {dimension_numbers = #tpu.dot_dimension_numbers<[1], [0], [0], [1], [0, 0, 1, 1], [], []>, transpose_lhs_hint = false} : vector<256x128xf32>, vector<128x128xf32>, vector<256x128xf32> -> vector<256x128xf32>
    %add3A_312 = vector.broadcast %get3A_164 : vector<1x128xf32> to vector<256x128xf32>
    %add3A_313 = arith.addf %dot_general3A_311, %add3A_312 : vector<256x128xf32>
    %tanh3A = math.tanh %add3A_313 : vector<256x128xf32>
    %dot_general3A_314 = arith.constant dense<0.000000e+00> : vector<256x128xf32>
    %dot_general3A_315 = tpu.matmul %tanh3A, %get3A_167, %dot_general3A_314 {dimension_numbers = #tpu.dot_dimension_numbers<[1], [0], [0], [1], [0, 0, 1, 1], [], []>, transpose_lhs_hint = false} : vector<256x128xf32>, vector<128x128xf32>, vector<256x128xf32> -> vector<256x128xf32>
    %add3A_316 = vector.broadcast %get3A_170 : vector<1x128xf32> to vector<256x128xf32>
    %add3A_317 = arith.addf %dot_general3A_315, %add3A_316 : vector<256x128xf32>
    %mul3A_318 = arith.constant 5.000000e-01 : f32
    %mul3A_319 = vector.broadcast %mul3A_318 : f32 to vector<256x128xf32>
    %mul3A_320 = arith.mulf %mul3A_319, %add3A_317 : vector<256x128xf32>
    %add3A_321 = arith.addf %reshape3A, %mul3A_320 : vector<256x128xf32>
    %reshape3A_322 = vector.shape_cast %add3A_321 : vector<256x128xf32> to vector<4x64x128xf32>
    %slice3A_323 = vector.extract_strided_slice %concatenate3A {offsets = [0, 0, 0], sizes = [1, 1024, 64], strides = [1, 1, 1]} : vector<4x1024x64xf32> to vector<1x1024x64xf32>
    %squeeze3A_324 = vector.shape_cast %slice3A_323 : vector<1x1024x64xf32> to vector<1024x64xf32>
    %slice3A_325 = vector.extract_strided_slice %reshape3A_322 {offsets = [0, 0, 0], sizes = [1, 64, 128], strides = [1, 1, 1]} : vector<4x64x128xf32> to vector<1x64x128xf32>
    %squeeze3A_326 = vector.shape_cast %slice3A_325 : vector<1x64x128xf32> to vector<64x128xf32>
    %dot_general3A_327 = arith.constant dense<0.000000e+00> : vector<1024x128xf32>
    %dot_general3A_328 = tpu.matmul %squeeze3A_324, %squeeze3A_326, %dot_general3A_327 {dimension_numbers = #tpu.dot_dimension_numbers<[1], [0], [0], [1], [0, 0, 1, 1], [], []>, transpose_lhs_hint = false} : vector<1024x64xf32>, vector<64x128xf32>, vector<1024x128xf32> -> vector<1024x128xf32>
    %slice3A_329 = vector.extract_strided_slice %concatenate3A {offsets = [1, 0, 0], sizes = [1, 1024, 64], strides = [1, 1, 1]} : vector<4x1024x64xf32> to vector<1x1024x64xf32>
    %squeeze3A_330 = vector.shape_cast %slice3A_329 : vector<1x1024x64xf32> to vector<1024x64xf32>
    %slice3A_331 = vector.extract_strided_slice %reshape3A_322 {offsets = [1, 0, 0], sizes = [1, 64, 128], strides = [1, 1, 1]} : vector<4x64x128xf32> to vector<1x64x128xf32>
    %squeeze3A_332 = vector.shape_cast %slice3A_331 : vector<1x64x128xf32> to vector<64x128xf32>
    %dot_general3A_333 = arith.constant dense<0.000000e+00> : vector<1024x128xf32>
    %dot_general3A_334 = tpu.matmul %squeeze3A_330, %squeeze3A_332, %dot_general3A_333 {dimension_numbers = #tpu.dot_dimension_numbers<[1], [0], [0], [1], [0, 0, 1, 1], [], []>, transpose_lhs_hint = false} : vector<1024x64xf32>, vector<64x128xf32>, vector<1024x128xf32> -> vector<1024x128xf32>
    %slice3A_335 = vector.extract_strided_slice %concatenate3A {offsets = [2, 0, 0], sizes = [1, 1024, 64], strides = [1, 1, 1]} : vector<4x1024x64xf32> to vector<1x1024x64xf32>
    %squeeze3A_336 = vector.shape_cast %slice3A_335 : vector<1x1024x64xf32> to vector<1024x64xf32>
    %slice3A_337 = vector.extract_strided_slice %reshape3A_322 {offsets = [2, 0, 0], sizes = [1, 64, 128], strides = [1, 1, 1]} : vector<4x64x128xf32> to vector<1x64x128xf32>
    %squeeze3A_338 = vector.shape_cast %slice3A_337 : vector<1x64x128xf32> to vector<64x128xf32>
    %dot_general3A_339 = arith.constant dense<0.000000e+00> : vector<1024x128xf32>
    %dot_general3A_340 = tpu.matmul %squeeze3A_336, %squeeze3A_338, %dot_general3A_339 {dimension_numbers = #tpu.dot_dimension_numbers<[1], [0], [0], [1], [0, 0, 1, 1], [], []>, transpose_lhs_hint = false} : vector<1024x64xf32>, vector<64x128xf32>, vector<1024x128xf32> -> vector<1024x128xf32>
    %slice3A_341 = vector.extract_strided_slice %concatenate3A {offsets = [3, 0, 0], sizes = [1, 1024, 64], strides = [1, 1, 1]} : vector<4x1024x64xf32> to vector<1x1024x64xf32>
    %squeeze3A_342 = vector.shape_cast %slice3A_341 : vector<1x1024x64xf32> to vector<1024x64xf32>
    %slice3A_343 = vector.extract_strided_slice %reshape3A_322 {offsets = [3, 0, 0], sizes = [1, 64, 128], strides = [1, 1, 1]} : vector<4x64x128xf32> to vector<1x64x128xf32>
    %squeeze3A_344 = vector.shape_cast %slice3A_343 : vector<1x64x128xf32> to vector<64x128xf32>
    %dot_general3A_345 = arith.constant dense<0.000000e+00> : vector<1024x128xf32>
    %dot_general3A_346 = tpu.matmul %squeeze3A_342, %squeeze3A_344, %dot_general3A_345 {dimension_numbers = #tpu.dot_dimension_numbers<[1], [0], [0], [1], [0, 0, 1, 1], [], []>, transpose_lhs_hint = false} : vector<1024x64xf32>, vector<64x128xf32>, vector<1024x128xf32> -> vector<1024x128xf32>
    %stack3A_347 = vector.shape_cast %dot_general3A_328 : vector<1024x128xf32> to vector<1x1024x128xf32>
    %stack3A_348 = vector.shape_cast %dot_general3A_334 : vector<1024x128xf32> to vector<1x1024x128xf32>
    %stack3A_349 = vector.shape_cast %dot_general3A_340 : vector<1024x128xf32> to vector<1x1024x128xf32>
    %stack3A_350 = vector.shape_cast %dot_general3A_346 : vector<1024x128xf32> to vector<1x1024x128xf32>
    %stack3A_351 = tpu.concatenate %stack3A_347, %stack3A_348, %stack3A_349, %stack3A_350 in 0 : vector<1x1024x128xf32>, vector<1x1024x128xf32>, vector<1x1024x128xf32>, vector<1x1024x128xf32> -> vector<4x1024x128xf32>
    %reshape3A_352 = vector.shape_cast %stack3A_351 : vector<4x1024x128xf32> to vector<4x16x64x128xf32>
    %slice3A_353 = vector.extract_strided_slice %reshape3A_352 {offsets = [0, 0, 0, 0], sizes = [4, 1, 64, 128], strides = [1, 1, 1, 1]} : vector<4x16x64x128xf32> to vector<4x1x64x128xf32>
    %squeeze3A_354 = vector.shape_cast %slice3A_353 : vector<4x1x64x128xf32> to vector<4x64x128xf32>
    %slice3A_355 = vector.extract_strided_slice %get3A_158 {offsets = [0, 0], sizes = [1, 128], strides = [1, 1]} : vector<16x128xf32> to vector<1x128xf32>
    %broadcast_in_dim3A_356 = vector.shape_cast %slice3A_355 : vector<1x128xf32> to vector<1x1x128xf32>
    %mul3A_357 = vector.broadcast %broadcast_in_dim3A_356 : vector<1x1x128xf32> to vector<4x64x128xf32>
    %mul3A_358 = arith.mulf %squeeze3A_354, %mul3A_357 : vector<4x64x128xf32>
    %slice3A_359 = vector.extract_strided_slice %reshape3A_352 {offsets = [0, 1, 0, 0], sizes = [4, 1, 64, 128], strides = [1, 1, 1, 1]} : vector<4x16x64x128xf32> to vector<4x1x64x128xf32>
    %squeeze3A_360 = vector.shape_cast %slice3A_359 : vector<4x1x64x128xf32> to vector<4x64x128xf32>
    %slice3A_361 = vector.extract_strided_slice %get3A_158 {offsets = [1, 0], sizes = [1, 128], strides = [1, 1]} : vector<16x128xf32> to vector<1x128xf32>
    %broadcast_in_dim3A_362 = vector.shape_cast %slice3A_361 : vector<1x128xf32> to vector<1x1x128xf32>
    %mul3A_363 = vector.broadcast %broadcast_in_dim3A_362 : vector<1x1x128xf32> to vector<4x64x128xf32>
    %mul3A_364 = arith.mulf %squeeze3A_360, %mul3A_363 : vector<4x64x128xf32>
    %slice3A_365 = vector.extract_strided_slice %reshape3A_352 {offsets = [0, 2, 0, 0], sizes = [4, 1, 64, 128], strides = [1, 1, 1, 1]} : vector<4x16x64x128xf32> to vector<4x1x64x128xf32>
    %squeeze3A_366 = vector.shape_cast %slice3A_365 : vector<4x1x64x128xf32> to vector<4x64x128xf32>
    %slice3A_367 = vector.extract_strided_slice %get3A_158 {offsets = [2, 0], sizes = [1, 128], strides = [1, 1]} : vector<16x128xf32> to vector<1x128xf32>
    %broadcast_in_dim3A_368 = vector.shape_cast %slice3A_367 : vector<1x128xf32> to vector<1x1x128xf32>
    %mul3A_369 = vector.broadcast %broadcast_in_dim3A_368 : vector<1x1x128xf32> to vector<4x64x128xf32>
    %mul3A_370 = arith.mulf %squeeze3A_366, %mul3A_369 : vector<4x64x128xf32>
    %slice3A_371 = vector.extract_strided_slice %reshape3A_352 {offsets = [0, 3, 0, 0], sizes = [4, 1, 64, 128], strides = [1, 1, 1, 1]} : vector<4x16x64x128xf32> to vector<4x1x64x128xf32>
    %squeeze3A_372 = vector.shape_cast %slice3A_371 : vector<4x1x64x128xf32> to vector<4x64x128xf32>
    %slice3A_373 = vector.extract_strided_slice %get3A_158 {offsets = [3, 0], sizes = [1, 128], strides = [1, 1]} : vector<16x128xf32> to vector<1x128xf32>
    %broadcast_in_dim3A_374 = vector.shape_cast %slice3A_373 : vector<1x128xf32> to vector<1x1x128xf32>
    %mul3A_375 = vector.broadcast %broadcast_in_dim3A_374 : vector<1x1x128xf32> to vector<4x64x128xf32>
    %mul3A_376 = arith.mulf %squeeze3A_372, %mul3A_375 : vector<4x64x128xf32>
    %slice3A_377 = vector.extract_strided_slice %reshape3A_352 {offsets = [0, 4, 0, 0], sizes = [4, 1, 64, 128], strides = [1, 1, 1, 1]} : vector<4x16x64x128xf32> to vector<4x1x64x128xf32>
    %squeeze3A_378 = vector.shape_cast %slice3A_377 : vector<4x1x64x128xf32> to vector<4x64x128xf32>
    %slice3A_379 = vector.extract_strided_slice %get3A_158 {offsets = [4, 0], sizes = [1, 128], strides = [1, 1]} : vector<16x128xf32> to vector<1x128xf32>
    %broadcast_in_dim3A_380 = vector.shape_cast %slice3A_379 : vector<1x128xf32> to vector<1x1x128xf32>
    %mul3A_381 = vector.broadcast %broadcast_in_dim3A_380 : vector<1x1x128xf32> to vector<4x64x128xf32>
    %mul3A_382 = arith.mulf %squeeze3A_378, %mul3A_381 : vector<4x64x128xf32>
    %slice3A_383 = vector.extract_strided_slice %reshape3A_352 {offsets = [0, 5, 0, 0], sizes = [4, 1, 64, 128], strides = [1, 1, 1, 1]} : vector<4x16x64x128xf32> to vector<4x1x64x128xf32>
    %squeeze3A_384 = vector.shape_cast %slice3A_383 : vector<4x1x64x128xf32> to vector<4x64x128xf32>
    %slice3A_385 = vector.extract_strided_slice %get3A_158 {offsets = [5, 0], sizes = [1, 128], strides = [1, 1]} : vector<16x128xf32> to vector<1x128xf32>
    %broadcast_in_dim3A_386 = vector.shape_cast %slice3A_385 : vector<1x128xf32> to vector<1x1x128xf32>
    %mul3A_387 = vector.broadcast %broadcast_in_dim3A_386 : vector<1x1x128xf32> to vector<4x64x128xf32>
    %mul3A_388 = arith.mulf %squeeze3A_384, %mul3A_387 : vector<4x64x128xf32>
    %slice3A_389 = vector.extract_strided_slice %reshape3A_352 {offsets = [0, 6, 0, 0], sizes = [4, 1, 64, 128], strides = [1, 1, 1, 1]} : vector<4x16x64x128xf32> to vector<4x1x64x128xf32>
    %squeeze3A_390 = vector.shape_cast %slice3A_389 : vector<4x1x64x128xf32> to vector<4x64x128xf32>
    %slice3A_391 = vector.extract_strided_slice %get3A_158 {offsets = [6, 0], sizes = [1, 128], strides = [1, 1]} : vector<16x128xf32> to vector<1x128xf32>
    %broadcast_in_dim3A_392 = vector.shape_cast %slice3A_391 : vector<1x128xf32> to vector<1x1x128xf32>
    %mul3A_393 = vector.broadcast %broadcast_in_dim3A_392 : vector<1x1x128xf32> to vector<4x64x128xf32>
    %mul3A_394 = arith.mulf %squeeze3A_390, %mul3A_393 : vector<4x64x128xf32>
    %slice3A_395 = vector.extract_strided_slice %reshape3A_352 {offsets = [0, 7, 0, 0], sizes = [4, 1, 64, 128], strides = [1, 1, 1, 1]} : vector<4x16x64x128xf32> to vector<4x1x64x128xf32>
    %squeeze3A_396 = vector.shape_cast %slice3A_395 : vector<4x1x64x128xf32> to vector<4x64x128xf32>
    %slice3A_397 = vector.extract_strided_slice %get3A_158 {offsets = [7, 0], sizes = [1, 128], strides = [1, 1]} : vector<16x128xf32> to vector<1x128xf32>
    %broadcast_in_dim3A_398 = vector.shape_cast %slice3A_397 : vector<1x128xf32> to vector<1x1x128xf32>
    %mul3A_399 = vector.broadcast %broadcast_in_dim3A_398 : vector<1x1x128xf32> to vector<4x64x128xf32>
    %mul3A_400 = arith.mulf %squeeze3A_396, %mul3A_399 : vector<4x64x128xf32>
    %slice3A_401 = vector.extract_strided_slice %reshape3A_352 {offsets = [0, 8, 0, 0], sizes = [4, 1, 64, 128], strides = [1, 1, 1, 1]} : vector<4x16x64x128xf32> to vector<4x1x64x128xf32>
    %squeeze3A_402 = vector.shape_cast %slice3A_401 : vector<4x1x64x128xf32> to vector<4x64x128xf32>
    %slice3A_403 = vector.extract_strided_slice %get3A_158 {offsets = [8, 0], sizes = [1, 128], strides = [1, 1]} : vector<16x128xf32> to vector<1x128xf32>
    %broadcast_in_dim3A_404 = vector.shape_cast %slice3A_403 : vector<1x128xf32> to vector<1x1x128xf32>
    %mul3A_405 = vector.broadcast %broadcast_in_dim3A_404 : vector<1x1x128xf32> to vector<4x64x128xf32>
    %mul3A_406 = arith.mulf %squeeze3A_402, %mul3A_405 : vector<4x64x128xf32>
    %slice3A_407 = vector.extract_strided_slice %reshape3A_352 {offsets = [0, 9, 0, 0], sizes = [4, 1, 64, 128], strides = [1, 1, 1, 1]} : vector<4x16x64x128xf32> to vector<4x1x64x128xf32>
    %squeeze3A_408 = vector.shape_cast %slice3A_407 : vector<4x1x64x128xf32> to vector<4x64x128xf32>
    %slice3A_409 = vector.extract_strided_slice %get3A_158 {offsets = [9, 0], sizes = [1, 128], strides = [1, 1]} : vector<16x128xf32> to vector<1x128xf32>
    %broadcast_in_dim3A_410 = vector.shape_cast %slice3A_409 : vector<1x128xf32> to vector<1x1x128xf32>
    %mul3A_411 = vector.broadcast %broadcast_in_dim3A_410 : vector<1x1x128xf32> to vector<4x64x128xf32>
    %mul3A_412 = arith.mulf %squeeze3A_408, %mul3A_411 : vector<4x64x128xf32>
    %slice3A_413 = vector.extract_strided_slice %reshape3A_352 {offsets = [0, 10, 0, 0], sizes = [4, 1, 64, 128], strides = [1, 1, 1, 1]} : vector<4x16x64x128xf32> to vector<4x1x64x128xf32>
    %squeeze3A_414 = vector.shape_cast %slice3A_413 : vector<4x1x64x128xf32> to vector<4x64x128xf32>
    %slice3A_415 = vector.extract_strided_slice %get3A_158 {offsets = [10, 0], sizes = [1, 128], strides = [1, 1]} : vector<16x128xf32> to vector<1x128xf32>
    %broadcast_in_dim3A_416 = vector.shape_cast %slice3A_415 : vector<1x128xf32> to vector<1x1x128xf32>
    %mul3A_417 = vector.broadcast %broadcast_in_dim3A_416 : vector<1x1x128xf32> to vector<4x64x128xf32>
    %mul3A_418 = arith.mulf %squeeze3A_414, %mul3A_417 : vector<4x64x128xf32>
    %slice3A_419 = vector.extract_strided_slice %reshape3A_352 {offsets = [0, 11, 0, 0], sizes = [4, 1, 64, 128], strides = [1, 1, 1, 1]} : vector<4x16x64x128xf32> to vector<4x1x64x128xf32>
    %squeeze3A_420 = vector.shape_cast %slice3A_419 : vector<4x1x64x128xf32> to vector<4x64x128xf32>
    %slice3A_421 = vector.extract_strided_slice %get3A_158 {offsets = [11, 0], sizes = [1, 128], strides = [1, 1]} : vector<16x128xf32> to vector<1x128xf32>
    %broadcast_in_dim3A_422 = vector.shape_cast %slice3A_421 : vector<1x128xf32> to vector<1x1x128xf32>
    %mul3A_423 = vector.broadcast %broadcast_in_dim3A_422 : vector<1x1x128xf32> to vector<4x64x128xf32>
    %mul3A_424 = arith.mulf %squeeze3A_420, %mul3A_423 : vector<4x64x128xf32>
    %slice3A_425 = vector.extract_strided_slice %reshape3A_352 {offsets = [0, 12, 0, 0], sizes = [4, 1, 64, 128], strides = [1, 1, 1, 1]} : vector<4x16x64x128xf32> to vector<4x1x64x128xf32>
    %squeeze3A_426 = vector.shape_cast %slice3A_425 : vector<4x1x64x128xf32> to vector<4x64x128xf32>
    %slice3A_427 = vector.extract_strided_slice %get3A_158 {offsets = [12, 0], sizes = [1, 128], strides = [1, 1]} : vector<16x128xf32> to vector<1x128xf32>
    %broadcast_in_dim3A_428 = vector.shape_cast %slice3A_427 : vector<1x128xf32> to vector<1x1x128xf32>
    %mul3A_429 = vector.broadcast %broadcast_in_dim3A_428 : vector<1x1x128xf32> to vector<4x64x128xf32>
    %mul3A_430 = arith.mulf %squeeze3A_426, %mul3A_429 : vector<4x64x128xf32>
    %slice3A_431 = vector.extract_strided_slice %reshape3A_352 {offsets = [0, 13, 0, 0], sizes = [4, 1, 64, 128], strides = [1, 1, 1, 1]} : vector<4x16x64x128xf32> to vector<4x1x64x128xf32>
    %squeeze3A_432 = vector.shape_cast %slice3A_431 : vector<4x1x64x128xf32> to vector<4x64x128xf32>
    %slice3A_433 = vector.extract_strided_slice %get3A_158 {offsets = [13, 0], sizes = [1, 128], strides = [1, 1]} : vector<16x128xf32> to vector<1x128xf32>
    %broadcast_in_dim3A_434 = vector.shape_cast %slice3A_433 : vector<1x128xf32> to vector<1x1x128xf32>
    %mul3A_435 = vector.broadcast %broadcast_in_dim3A_434 : vector<1x1x128xf32> to vector<4x64x128xf32>
    %mul3A_436 = arith.mulf %squeeze3A_432, %mul3A_435 : vector<4x64x128xf32>
    %slice3A_437 = vector.extract_strided_slice %reshape3A_352 {offsets = [0, 14, 0, 0], sizes = [4, 1, 64, 128], strides = [1, 1, 1, 1]} : vector<4x16x64x128xf32> to vector<4x1x64x128xf32>
    %squeeze3A_438 = vector.shape_cast %slice3A_437 : vector<4x1x64x128xf32> to vector<4x64x128xf32>
    %slice3A_439 = vector.extract_strided_slice %get3A_158 {offsets = [14, 0], sizes = [1, 128], strides = [1, 1]} : vector<16x128xf32> to vector<1x128xf32>
    %broadcast_in_dim3A_440 = vector.shape_cast %slice3A_439 : vector<1x128xf32> to vector<1x1x128xf32>
    %mul3A_441 = vector.broadcast %broadcast_in_dim3A_440 : vector<1x1x128xf32> to vector<4x64x128xf32>
    %mul3A_442 = arith.mulf %squeeze3A_438, %mul3A_441 : vector<4x64x128xf32>
    %slice3A_443 = vector.extract_strided_slice %reshape3A_352 {offsets = [0, 15, 0, 0], sizes = [4, 1, 64, 128], strides = [1, 1, 1, 1]} : vector<4x16x64x128xf32> to vector<4x1x64x128xf32>
    %squeeze3A_444 = vector.shape_cast %slice3A_443 : vector<4x1x64x128xf32> to vector<4x64x128xf32>
    %slice3A_445 = vector.extract_strided_slice %get3A_158 {offsets = [15, 0], sizes = [1, 128], strides = [1, 1]} : vector<16x128xf32> to vector<1x128xf32>
    %broadcast_in_dim3A_446 = vector.shape_cast %slice3A_445 : vector<1x128xf32> to vector<1x1x128xf32>
    %mul3A_447 = vector.broadcast %broadcast_in_dim3A_446 : vector<1x1x128xf32> to vector<4x64x128xf32>
    %mul3A_448 = arith.mulf %squeeze3A_444, %mul3A_447 : vector<4x64x128xf32>
    %add3A_449 = arith.addf %mul3A_358, %mul3A_406 : vector<4x64x128xf32>
    %add3A_450 = arith.addf %mul3A_364, %mul3A_412 : vector<4x64x128xf32>
    %add3A_451 = arith.addf %mul3A_370, %mul3A_418 : vector<4x64x128xf32>
    %add3A_452 = arith.addf %mul3A_376, %mul3A_424 : vector<4x64x128xf32>
    %add3A_453 = arith.addf %mul3A_382, %mul3A_430 : vector<4x64x128xf32>
    %add3A_454 = arith.addf %mul3A_388, %mul3A_436 : vector<4x64x128xf32>
    %add3A_455 = arith.addf %mul3A_394, %mul3A_442 : vector<4x64x128xf32>
    %add3A_456 = arith.addf %mul3A_400, %mul3A_448 : vector<4x64x128xf32>
    %add3A_457 = arith.addf %add3A_449, %add3A_453 : vector<4x64x128xf32>
    %add3A_458 = arith.addf %add3A_450, %add3A_454 : vector<4x64x128xf32>
    %add3A_459 = arith.addf %add3A_451, %add3A_455 : vector<4x64x128xf32>
    %add3A_460 = arith.addf %add3A_452, %add3A_456 : vector<4x64x128xf32>
    %add3A_461 = arith.addf %add3A_457, %add3A_459 : vector<4x64x128xf32>
    %add3A_462 = arith.addf %add3A_458, %add3A_460 : vector<4x64x128xf32>
    %add3A_463 = arith.addf %add3A_461, %add3A_462 : vector<4x64x128xf32>
    %reshape3A_464 = vector.shape_cast %add3A_463 : vector<4x64x128xf32> to vector<256x128xf32>
    %dot_general3A_465 = arith.constant dense<0.000000e+00> : vector<256x128xf32>
    %dot_general3A_466 = tpu.matmul %reshape3A_464, %get3A_161, %dot_general3A_465 {dimension_numbers = #tpu.dot_dimension_numbers<[1], [0], [0], [1], [0, 0, 1, 1], [], []>, transpose_lhs_hint = false} : vector<256x128xf32>, vector<128x128xf32>, vector<256x128xf32> -> vector<256x128xf32>
    %add3A_467 = vector.broadcast %get3A_164 : vector<1x128xf32> to vector<256x128xf32>
    %add3A_468 = arith.addf %dot_general3A_466, %add3A_467 : vector<256x128xf32>
    %tanh3A_469 = math.tanh %add3A_468 : vector<256x128xf32>
    %dot_general3A_470 = arith.constant dense<0.000000e+00> : vector<256x128xf32>
    %dot_general3A_471 = tpu.matmul %tanh3A_469, %get3A_167, %dot_general3A_470 {dimension_numbers = #tpu.dot_dimension_numbers<[1], [0], [0], [1], [0, 0, 1, 1], [], []>, transpose_lhs_hint = false} : vector<256x128xf32>, vector<128x128xf32>, vector<256x128xf32> -> vector<256x128xf32>
    %add3A_472 = vector.broadcast %get3A_170 : vector<1x128xf32> to vector<256x128xf32>
    %add3A_473 = arith.addf %dot_general3A_471, %add3A_472 : vector<256x128xf32>
    %mul3A_474 = arith.constant 4.500000e-01 : f32
    %mul3A_475 = vector.broadcast %mul3A_474 : f32 to vector<256x128xf32>
    %mul3A_476 = arith.mulf %mul3A_475, %add3A_473 : vector<256x128xf32>
    %add3A_477 = arith.addf %add3A_321, %mul3A_476 : vector<256x128xf32>
    %reshape3A_478 = vector.shape_cast %add3A_477 : vector<256x128xf32> to vector<4x64x128xf32>
    %slice3A_479 = vector.extract_strided_slice %concatenate3A {offsets = [0, 0, 0], sizes = [1, 1024, 64], strides = [1, 1, 1]} : vector<4x1024x64xf32> to vector<1x1024x64xf32>
    %squeeze3A_480 = vector.shape_cast %slice3A_479 : vector<1x1024x64xf32> to vector<1024x64xf32>
    %slice3A_481 = vector.extract_strided_slice %reshape3A_478 {offsets = [0, 0, 0], sizes = [1, 64, 128], strides = [1, 1, 1]} : vector<4x64x128xf32> to vector<1x64x128xf32>
    %squeeze3A_482 = vector.shape_cast %slice3A_481 : vector<1x64x128xf32> to vector<64x128xf32>
    %dot_general3A_483 = arith.constant dense<0.000000e+00> : vector<1024x128xf32>
    %dot_general3A_484 = tpu.matmul %squeeze3A_480, %squeeze3A_482, %dot_general3A_483 {dimension_numbers = #tpu.dot_dimension_numbers<[1], [0], [0], [1], [0, 0, 1, 1], [], []>, transpose_lhs_hint = false} : vector<1024x64xf32>, vector<64x128xf32>, vector<1024x128xf32> -> vector<1024x128xf32>
    %slice3A_485 = vector.extract_strided_slice %concatenate3A {offsets = [1, 0, 0], sizes = [1, 1024, 64], strides = [1, 1, 1]} : vector<4x1024x64xf32> to vector<1x1024x64xf32>
    %squeeze3A_486 = vector.shape_cast %slice3A_485 : vector<1x1024x64xf32> to vector<1024x64xf32>
    %slice3A_487 = vector.extract_strided_slice %reshape3A_478 {offsets = [1, 0, 0], sizes = [1, 64, 128], strides = [1, 1, 1]} : vector<4x64x128xf32> to vector<1x64x128xf32>
    %squeeze3A_488 = vector.shape_cast %slice3A_487 : vector<1x64x128xf32> to vector<64x128xf32>
    %dot_general3A_489 = arith.constant dense<0.000000e+00> : vector<1024x128xf32>
    %dot_general3A_490 = tpu.matmul %squeeze3A_486, %squeeze3A_488, %dot_general3A_489 {dimension_numbers = #tpu.dot_dimension_numbers<[1], [0], [0], [1], [0, 0, 1, 1], [], []>, transpose_lhs_hint = false} : vector<1024x64xf32>, vector<64x128xf32>, vector<1024x128xf32> -> vector<1024x128xf32>
    %slice3A_491 = vector.extract_strided_slice %concatenate3A {offsets = [2, 0, 0], sizes = [1, 1024, 64], strides = [1, 1, 1]} : vector<4x1024x64xf32> to vector<1x1024x64xf32>
    %squeeze3A_492 = vector.shape_cast %slice3A_491 : vector<1x1024x64xf32> to vector<1024x64xf32>
    %slice3A_493 = vector.extract_strided_slice %reshape3A_478 {offsets = [2, 0, 0], sizes = [1, 64, 128], strides = [1, 1, 1]} : vector<4x64x128xf32> to vector<1x64x128xf32>
    %squeeze3A_494 = vector.shape_cast %slice3A_493 : vector<1x64x128xf32> to vector<64x128xf32>
    %dot_general3A_495 = arith.constant dense<0.000000e+00> : vector<1024x128xf32>
    %dot_general3A_496 = tpu.matmul %squeeze3A_492, %squeeze3A_494, %dot_general3A_495 {dimension_numbers = #tpu.dot_dimension_numbers<[1], [0], [0], [1], [0, 0, 1, 1], [], []>, transpose_lhs_hint = false} : vector<1024x64xf32>, vector<64x128xf32>, vector<1024x128xf32> -> vector<1024x128xf32>
    %slice3A_497 = vector.extract_strided_slice %concatenate3A {offsets = [3, 0, 0], sizes = [1, 1024, 64], strides = [1, 1, 1]} : vector<4x1024x64xf32> to vector<1x1024x64xf32>
    %squeeze3A_498 = vector.shape_cast %slice3A_497 : vector<1x1024x64xf32> to vector<1024x64xf32>
    %slice3A_499 = vector.extract_strided_slice %reshape3A_478 {offsets = [3, 0, 0], sizes = [1, 64, 128], strides = [1, 1, 1]} : vector<4x64x128xf32> to vector<1x64x128xf32>
    %squeeze3A_500 = vector.shape_cast %slice3A_499 : vector<1x64x128xf32> to vector<64x128xf32>
    %dot_general3A_501 = arith.constant dense<0.000000e+00> : vector<1024x128xf32>
    %dot_general3A_502 = tpu.matmul %squeeze3A_498, %squeeze3A_500, %dot_general3A_501 {dimension_numbers = #tpu.dot_dimension_numbers<[1], [0], [0], [1], [0, 0, 1, 1], [], []>, transpose_lhs_hint = false} : vector<1024x64xf32>, vector<64x128xf32>, vector<1024x128xf32> -> vector<1024x128xf32>
    %stack3A_503 = vector.shape_cast %dot_general3A_484 : vector<1024x128xf32> to vector<1x1024x128xf32>
    %stack3A_504 = vector.shape_cast %dot_general3A_490 : vector<1024x128xf32> to vector<1x1024x128xf32>
    %stack3A_505 = vector.shape_cast %dot_general3A_496 : vector<1024x128xf32> to vector<1x1024x128xf32>
    %stack3A_506 = vector.shape_cast %dot_general3A_502 : vector<1024x128xf32> to vector<1x1024x128xf32>
    %stack3A_507 = tpu.concatenate %stack3A_503, %stack3A_504, %stack3A_505, %stack3A_506 in 0 : vector<1x1024x128xf32>, vector<1x1024x128xf32>, vector<1x1024x128xf32>, vector<1x1024x128xf32> -> vector<4x1024x128xf32>
    %reshape3A_508 = vector.shape_cast %stack3A_507 : vector<4x1024x128xf32> to vector<4x16x64x128xf32>
    %slice3A_509 = vector.extract_strided_slice %reshape3A_508 {offsets = [0, 0, 0, 0], sizes = [4, 1, 64, 128], strides = [1, 1, 1, 1]} : vector<4x16x64x128xf32> to vector<4x1x64x128xf32>
    %squeeze3A_510 = vector.shape_cast %slice3A_509 : vector<4x1x64x128xf32> to vector<4x64x128xf32>
    %slice3A_511 = vector.extract_strided_slice %get3A_158 {offsets = [0, 0], sizes = [1, 128], strides = [1, 1]} : vector<16x128xf32> to vector<1x128xf32>
    %broadcast_in_dim3A_512 = vector.shape_cast %slice3A_511 : vector<1x128xf32> to vector<1x1x128xf32>
    %mul3A_513 = vector.broadcast %broadcast_in_dim3A_512 : vector<1x1x128xf32> to vector<4x64x128xf32>
    %mul3A_514 = arith.mulf %squeeze3A_510, %mul3A_513 : vector<4x64x128xf32>
    %slice3A_515 = vector.extract_strided_slice %reshape3A_508 {offsets = [0, 1, 0, 0], sizes = [4, 1, 64, 128], strides = [1, 1, 1, 1]} : vector<4x16x64x128xf32> to vector<4x1x64x128xf32>
    %squeeze3A_516 = vector.shape_cast %slice3A_515 : vector<4x1x64x128xf32> to vector<4x64x128xf32>
    %slice3A_517 = vector.extract_strided_slice %get3A_158 {offsets = [1, 0], sizes = [1, 128], strides = [1, 1]} : vector<16x128xf32> to vector<1x128xf32>
    %broadcast_in_dim3A_518 = vector.shape_cast %slice3A_517 : vector<1x128xf32> to vector<1x1x128xf32>
    %mul3A_519 = vector.broadcast %broadcast_in_dim3A_518 : vector<1x1x128xf32> to vector<4x64x128xf32>
    %mul3A_520 = arith.mulf %squeeze3A_516, %mul3A_519 : vector<4x64x128xf32>
    %slice3A_521 = vector.extract_strided_slice %reshape3A_508 {offsets = [0, 2, 0, 0], sizes = [4, 1, 64, 128], strides = [1, 1, 1, 1]} : vector<4x16x64x128xf32> to vector<4x1x64x128xf32>
    %squeeze3A_522 = vector.shape_cast %slice3A_521 : vector<4x1x64x128xf32> to vector<4x64x128xf32>
    %slice3A_523 = vector.extract_strided_slice %get3A_158 {offsets = [2, 0], sizes = [1, 128], strides = [1, 1]} : vector<16x128xf32> to vector<1x128xf32>
    %broadcast_in_dim3A_524 = vector.shape_cast %slice3A_523 : vector<1x128xf32> to vector<1x1x128xf32>
    %mul3A_525 = vector.broadcast %broadcast_in_dim3A_524 : vector<1x1x128xf32> to vector<4x64x128xf32>
    %mul3A_526 = arith.mulf %squeeze3A_522, %mul3A_525 : vector<4x64x128xf32>
    %slice3A_527 = vector.extract_strided_slice %reshape3A_508 {offsets = [0, 3, 0, 0], sizes = [4, 1, 64, 128], strides = [1, 1, 1, 1]} : vector<4x16x64x128xf32> to vector<4x1x64x128xf32>
    %squeeze3A_528 = vector.shape_cast %slice3A_527 : vector<4x1x64x128xf32> to vector<4x64x128xf32>
    %slice3A_529 = vector.extract_strided_slice %get3A_158 {offsets = [3, 0], sizes = [1, 128], strides = [1, 1]} : vector<16x128xf32> to vector<1x128xf32>
    %broadcast_in_dim3A_530 = vector.shape_cast %slice3A_529 : vector<1x128xf32> to vector<1x1x128xf32>
    %mul3A_531 = vector.broadcast %broadcast_in_dim3A_530 : vector<1x1x128xf32> to vector<4x64x128xf32>
    %mul3A_532 = arith.mulf %squeeze3A_528, %mul3A_531 : vector<4x64x128xf32>
    %slice3A_533 = vector.extract_strided_slice %reshape3A_508 {offsets = [0, 4, 0, 0], sizes = [4, 1, 64, 128], strides = [1, 1, 1, 1]} : vector<4x16x64x128xf32> to vector<4x1x64x128xf32>
    %squeeze3A_534 = vector.shape_cast %slice3A_533 : vector<4x1x64x128xf32> to vector<4x64x128xf32>
    %slice3A_535 = vector.extract_strided_slice %get3A_158 {offsets = [4, 0], sizes = [1, 128], strides = [1, 1]} : vector<16x128xf32> to vector<1x128xf32>
    %broadcast_in_dim3A_536 = vector.shape_cast %slice3A_535 : vector<1x128xf32> to vector<1x1x128xf32>
    %mul3A_537 = vector.broadcast %broadcast_in_dim3A_536 : vector<1x1x128xf32> to vector<4x64x128xf32>
    %mul3A_538 = arith.mulf %squeeze3A_534, %mul3A_537 : vector<4x64x128xf32>
    %slice3A_539 = vector.extract_strided_slice %reshape3A_508 {offsets = [0, 5, 0, 0], sizes = [4, 1, 64, 128], strides = [1, 1, 1, 1]} : vector<4x16x64x128xf32> to vector<4x1x64x128xf32>
    %squeeze3A_540 = vector.shape_cast %slice3A_539 : vector<4x1x64x128xf32> to vector<4x64x128xf32>
    %slice3A_541 = vector.extract_strided_slice %get3A_158 {offsets = [5, 0], sizes = [1, 128], strides = [1, 1]} : vector<16x128xf32> to vector<1x128xf32>
    %broadcast_in_dim3A_542 = vector.shape_cast %slice3A_541 : vector<1x128xf32> to vector<1x1x128xf32>
    %mul3A_543 = vector.broadcast %broadcast_in_dim3A_542 : vector<1x1x128xf32> to vector<4x64x128xf32>
    %mul3A_544 = arith.mulf %squeeze3A_540, %mul3A_543 : vector<4x64x128xf32>
    %slice3A_545 = vector.extract_strided_slice %reshape3A_508 {offsets = [0, 6, 0, 0], sizes = [4, 1, 64, 128], strides = [1, 1, 1, 1]} : vector<4x16x64x128xf32> to vector<4x1x64x128xf32>
    %squeeze3A_546 = vector.shape_cast %slice3A_545 : vector<4x1x64x128xf32> to vector<4x64x128xf32>
    %slice3A_547 = vector.extract_strided_slice %get3A_158 {offsets = [6, 0], sizes = [1, 128], strides = [1, 1]} : vector<16x128xf32> to vector<1x128xf32>
    %broadcast_in_dim3A_548 = vector.shape_cast %slice3A_547 : vector<1x128xf32> to vector<1x1x128xf32>
    %mul3A_549 = vector.broadcast %broadcast_in_dim3A_548 : vector<1x1x128xf32> to vector<4x64x128xf32>
    %mul3A_550 = arith.mulf %squeeze3A_546, %mul3A_549 : vector<4x64x128xf32>
    %slice3A_551 = vector.extract_strided_slice %reshape3A_508 {offsets = [0, 7, 0, 0], sizes = [4, 1, 64, 128], strides = [1, 1, 1, 1]} : vector<4x16x64x128xf32> to vector<4x1x64x128xf32>
    %squeeze3A_552 = vector.shape_cast %slice3A_551 : vector<4x1x64x128xf32> to vector<4x64x128xf32>
    %slice3A_553 = vector.extract_strided_slice %get3A_158 {offsets = [7, 0], sizes = [1, 128], strides = [1, 1]} : vector<16x128xf32> to vector<1x128xf32>
    %broadcast_in_dim3A_554 = vector.shape_cast %slice3A_553 : vector<1x128xf32> to vector<1x1x128xf32>
    %mul3A_555 = vector.broadcast %broadcast_in_dim3A_554 : vector<1x1x128xf32> to vector<4x64x128xf32>
    %mul3A_556 = arith.mulf %squeeze3A_552, %mul3A_555 : vector<4x64x128xf32>
    %slice3A_557 = vector.extract_strided_slice %reshape3A_508 {offsets = [0, 8, 0, 0], sizes = [4, 1, 64, 128], strides = [1, 1, 1, 1]} : vector<4x16x64x128xf32> to vector<4x1x64x128xf32>
    %squeeze3A_558 = vector.shape_cast %slice3A_557 : vector<4x1x64x128xf32> to vector<4x64x128xf32>
    %slice3A_559 = vector.extract_strided_slice %get3A_158 {offsets = [8, 0], sizes = [1, 128], strides = [1, 1]} : vector<16x128xf32> to vector<1x128xf32>
    %broadcast_in_dim3A_560 = vector.shape_cast %slice3A_559 : vector<1x128xf32> to vector<1x1x128xf32>
    %mul3A_561 = vector.broadcast %broadcast_in_dim3A_560 : vector<1x1x128xf32> to vector<4x64x128xf32>
    %mul3A_562 = arith.mulf %squeeze3A_558, %mul3A_561 : vector<4x64x128xf32>
    %slice3A_563 = vector.extract_strided_slice %reshape3A_508 {offsets = [0, 9, 0, 0], sizes = [4, 1, 64, 128], strides = [1, 1, 1, 1]} : vector<4x16x64x128xf32> to vector<4x1x64x128xf32>
    %squeeze3A_564 = vector.shape_cast %slice3A_563 : vector<4x1x64x128xf32> to vector<4x64x128xf32>
    %slice3A_565 = vector.extract_strided_slice %get3A_158 {offsets = [9, 0], sizes = [1, 128], strides = [1, 1]} : vector<16x128xf32> to vector<1x128xf32>
    %broadcast_in_dim3A_566 = vector.shape_cast %slice3A_565 : vector<1x128xf32> to vector<1x1x128xf32>
    %mul3A_567 = vector.broadcast %broadcast_in_dim3A_566 : vector<1x1x128xf32> to vector<4x64x128xf32>
    %mul3A_568 = arith.mulf %squeeze3A_564, %mul3A_567 : vector<4x64x128xf32>
    %slice3A_569 = vector.extract_strided_slice %reshape3A_508 {offsets = [0, 10, 0, 0], sizes = [4, 1, 64, 128], strides = [1, 1, 1, 1]} : vector<4x16x64x128xf32> to vector<4x1x64x128xf32>
    %squeeze3A_570 = vector.shape_cast %slice3A_569 : vector<4x1x64x128xf32> to vector<4x64x128xf32>
    %slice3A_571 = vector.extract_strided_slice %get3A_158 {offsets = [10, 0], sizes = [1, 128], strides = [1, 1]} : vector<16x128xf32> to vector<1x128xf32>
    %broadcast_in_dim3A_572 = vector.shape_cast %slice3A_571 : vector<1x128xf32> to vector<1x1x128xf32>
    %mul3A_573 = vector.broadcast %broadcast_in_dim3A_572 : vector<1x1x128xf32> to vector<4x64x128xf32>
    %mul3A_574 = arith.mulf %squeeze3A_570, %mul3A_573 : vector<4x64x128xf32>
    %slice3A_575 = vector.extract_strided_slice %reshape3A_508 {offsets = [0, 11, 0, 0], sizes = [4, 1, 64, 128], strides = [1, 1, 1, 1]} : vector<4x16x64x128xf32> to vector<4x1x64x128xf32>
    %squeeze3A_576 = vector.shape_cast %slice3A_575 : vector<4x1x64x128xf32> to vector<4x64x128xf32>
    %slice3A_577 = vector.extract_strided_slice %get3A_158 {offsets = [11, 0], sizes = [1, 128], strides = [1, 1]} : vector<16x128xf32> to vector<1x128xf32>
    %broadcast_in_dim3A_578 = vector.shape_cast %slice3A_577 : vector<1x128xf32> to vector<1x1x128xf32>
    %mul3A_579 = vector.broadcast %broadcast_in_dim3A_578 : vector<1x1x128xf32> to vector<4x64x128xf32>
    %mul3A_580 = arith.mulf %squeeze3A_576, %mul3A_579 : vector<4x64x128xf32>
    %slice3A_581 = vector.extract_strided_slice %reshape3A_508 {offsets = [0, 12, 0, 0], sizes = [4, 1, 64, 128], strides = [1, 1, 1, 1]} : vector<4x16x64x128xf32> to vector<4x1x64x128xf32>
    %squeeze3A_582 = vector.shape_cast %slice3A_581 : vector<4x1x64x128xf32> to vector<4x64x128xf32>
    %slice3A_583 = vector.extract_strided_slice %get3A_158 {offsets = [12, 0], sizes = [1, 128], strides = [1, 1]} : vector<16x128xf32> to vector<1x128xf32>
    %broadcast_in_dim3A_584 = vector.shape_cast %slice3A_583 : vector<1x128xf32> to vector<1x1x128xf32>
    %mul3A_585 = vector.broadcast %broadcast_in_dim3A_584 : vector<1x1x128xf32> to vector<4x64x128xf32>
    %mul3A_586 = arith.mulf %squeeze3A_582, %mul3A_585 : vector<4x64x128xf32>
    %slice3A_587 = vector.extract_strided_slice %reshape3A_508 {offsets = [0, 13, 0, 0], sizes = [4, 1, 64, 128], strides = [1, 1, 1, 1]} : vector<4x16x64x128xf32> to vector<4x1x64x128xf32>
    %squeeze3A_588 = vector.shape_cast %slice3A_587 : vector<4x1x64x128xf32> to vector<4x64x128xf32>
    %slice3A_589 = vector.extract_strided_slice %get3A_158 {offsets = [13, 0], sizes = [1, 128], strides = [1, 1]} : vector<16x128xf32> to vector<1x128xf32>
    %broadcast_in_dim3A_590 = vector.shape_cast %slice3A_589 : vector<1x128xf32> to vector<1x1x128xf32>
    %mul3A_591 = vector.broadcast %broadcast_in_dim3A_590 : vector<1x1x128xf32> to vector<4x64x128xf32>
    %mul3A_592 = arith.mulf %squeeze3A_588, %mul3A_591 : vector<4x64x128xf32>
    %slice3A_593 = vector.extract_strided_slice %reshape3A_508 {offsets = [0, 14, 0, 0], sizes = [4, 1, 64, 128], strides = [1, 1, 1, 1]} : vector<4x16x64x128xf32> to vector<4x1x64x128xf32>
    %squeeze3A_594 = vector.shape_cast %slice3A_593 : vector<4x1x64x128xf32> to vector<4x64x128xf32>
    %slice3A_595 = vector.extract_strided_slice %get3A_158 {offsets = [14, 0], sizes = [1, 128], strides = [1, 1]} : vector<16x128xf32> to vector<1x128xf32>
    %broadcast_in_dim3A_596 = vector.shape_cast %slice3A_595 : vector<1x128xf32> to vector<1x1x128xf32>
    %mul3A_597 = vector.broadcast %broadcast_in_dim3A_596 : vector<1x1x128xf32> to vector<4x64x128xf32>
    %mul3A_598 = arith.mulf %squeeze3A_594, %mul3A_597 : vector<4x64x128xf32>
    %slice3A_599 = vector.extract_strided_slice %reshape3A_508 {offsets = [0, 15, 0, 0], sizes = [4, 1, 64, 128], strides = [1, 1, 1, 1]} : vector<4x16x64x128xf32> to vector<4x1x64x128xf32>
    %squeeze3A_600 = vector.shape_cast %slice3A_599 : vector<4x1x64x128xf32> to vector<4x64x128xf32>
    %slice3A_601 = vector.extract_strided_slice %get3A_158 {offsets = [15, 0], sizes = [1, 128], strides = [1, 1]} : vector<16x128xf32> to vector<1x128xf32>
    %broadcast_in_dim3A_602 = vector.shape_cast %slice3A_601 : vector<1x128xf32> to vector<1x1x128xf32>
    %mul3A_603 = vector.broadcast %broadcast_in_dim3A_602 : vector<1x1x128xf32> to vector<4x64x128xf32>
    %mul3A_604 = arith.mulf %squeeze3A_600, %mul3A_603 : vector<4x64x128xf32>
    %add3A_605 = arith.addf %mul3A_514, %mul3A_562 : vector<4x64x128xf32>
    %add3A_606 = arith.addf %mul3A_520, %mul3A_568 : vector<4x64x128xf32>
    %add3A_607 = arith.addf %mul3A_526, %mul3A_574 : vector<4x64x128xf32>
    %add3A_608 = arith.addf %mul3A_532, %mul3A_580 : vector<4x64x128xf32>
    %add3A_609 = arith.addf %mul3A_538, %mul3A_586 : vector<4x64x128xf32>
    %add3A_610 = arith.addf %mul3A_544, %mul3A_592 : vector<4x64x128xf32>
    %add3A_611 = arith.addf %mul3A_550, %mul3A_598 : vector<4x64x128xf32>
    %add3A_612 = arith.addf %mul3A_556, %mul3A_604 : vector<4x64x128xf32>
    %add3A_613 = arith.addf %add3A_605, %add3A_609 : vector<4x64x128xf32>
    %add3A_614 = arith.addf %add3A_606, %add3A_610 : vector<4x64x128xf32>
    %add3A_615 = arith.addf %add3A_607, %add3A_611 : vector<4x64x128xf32>
    %add3A_616 = arith.addf %add3A_608, %add3A_612 : vector<4x64x128xf32>
    %add3A_617 = arith.addf %add3A_613, %add3A_615 : vector<4x64x128xf32>
    %add3A_618 = arith.addf %add3A_614, %add3A_616 : vector<4x64x128xf32>
    %add3A_619 = arith.addf %add3A_617, %add3A_618 : vector<4x64x128xf32>
    %reshape3A_620 = vector.shape_cast %add3A_619 : vector<4x64x128xf32> to vector<256x128xf32>
    %dot_general3A_621 = arith.constant dense<0.000000e+00> : vector<256x128xf32>
    %dot_general3A_622 = tpu.matmul %reshape3A_620, %get3A_161, %dot_general3A_621 {dimension_numbers = #tpu.dot_dimension_numbers<[1], [0], [0], [1], [0, 0, 1, 1], [], []>, transpose_lhs_hint = false} : vector<256x128xf32>, vector<128x128xf32>, vector<256x128xf32> -> vector<256x128xf32>
    %add3A_623 = vector.broadcast %get3A_164 : vector<1x128xf32> to vector<256x128xf32>
    %add3A_624 = arith.addf %dot_general3A_622, %add3A_623 : vector<256x128xf32>
    %tanh3A_625 = math.tanh %add3A_624 : vector<256x128xf32>
    %dot_general3A_626 = arith.constant dense<0.000000e+00> : vector<256x128xf32>
    %dot_general3A_627 = tpu.matmul %tanh3A_625, %get3A_167, %dot_general3A_626 {dimension_numbers = #tpu.dot_dimension_numbers<[1], [0], [0], [1], [0, 0, 1, 1], [], []>, transpose_lhs_hint = false} : vector<256x128xf32>, vector<128x128xf32>, vector<256x128xf32> -> vector<256x128xf32>
    %add3A_628 = vector.broadcast %get3A_170 : vector<1x128xf32> to vector<256x128xf32>
    %add3A_629 = arith.addf %dot_general3A_627, %add3A_628 : vector<256x128xf32>
    %mul3A_630 = arith.constant 4.050000e-01 : f32
    %mul3A_631 = vector.broadcast %mul3A_630 : f32 to vector<256x128xf32>
    %mul3A_632 = arith.mulf %mul3A_631, %add3A_629 : vector<256x128xf32>
    %add3A_633 = arith.addf %add3A_477, %mul3A_632 : vector<256x128xf32>
    %reshape3A_634 = vector.shape_cast %add3A_633 : vector<256x128xf32> to vector<4x64x128xf32>
    %get3A_635 = arith.constant 0 : index
    %get3A_636 = arith.constant 0 : index
    %get3A_637 = vector.load %arg9[%get3A_635, %get3A_636] : memref<128x128xf32, #tpu.memory_space<vmem>>, vector<128x128xf32>
    %dot_general3A_638 = arith.constant dense<0.000000e+00> : vector<256x128xf32>
    %dot_general3A_639 = tpu.matmul %add3A_633, %get3A_637, %dot_general3A_638 {dimension_numbers = #tpu.dot_dimension_numbers<[1], [0], [0], [1], [0, 0, 1, 1], [], []>, transpose_lhs_hint = false} : vector<256x128xf32>, vector<128x128xf32>, vector<256x128xf32> -> vector<256x128xf32>
    %get3A_640 = arith.constant 0 : index
    %get3A_641 = arith.constant 0 : index
    %get3A_642 = vector.load %arg10[%get3A_640, %get3A_641] : memref<1x128xf32, #tpu.memory_space<vmem>>, vector<1x128xf32>
    %add3A_643 = vector.broadcast %get3A_642 : vector<1x128xf32> to vector<256x128xf32>
    %add3A_644 = arith.addf %dot_general3A_639, %add3A_643 : vector<256x128xf32>
    %tanh3A_645 = math.tanh %add3A_644 : vector<256x128xf32>
    %get3A_646 = arith.constant 0 : index
    %get3A_647 = arith.constant 0 : index
    %get3A_648 = vector.load %arg11[%get3A_646, %get3A_647] : memref<128x64xf32, #tpu.memory_space<vmem>>, vector<128x64xf32>
    %dot_general3A_649 = arith.constant dense<0.000000e+00> : vector<256x64xf32>
    %dot_general3A_650 = tpu.matmul %tanh3A_645, %get3A_648, %dot_general3A_649 {dimension_numbers = #tpu.dot_dimension_numbers<[1], [0], [0], [1], [0, 0, 1, 1], [], []>, transpose_lhs_hint = false} : vector<256x128xf32>, vector<128x64xf32>, vector<256x64xf32> -> vector<256x64xf32>
    %get3A_651 = arith.constant 0 : index
    %get3A_652 = arith.constant 0 : index
    %get3A_653 = vector.load %arg12[%get3A_651, %get3A_652] : memref<1x64xf32, #tpu.memory_space<vmem>>, vector<1x64xf32>
    %add3A_654 = vector.broadcast %get3A_653 : vector<1x64xf32> to vector<256x64xf32>
    %add3A_655 = arith.addf %dot_general3A_650, %add3A_654 : vector<256x64xf32>
    %reshape3A_656 = vector.shape_cast %add3A_655 : vector<256x64xf32> to vector<4x64x64xf32>
    %swap3A = arith.constant 0 : index
    %swap3A_657 = arith.constant 0 : index
    %swap3A_658 = arith.constant 0 : index
    %swap3A_659 = vector.load %arg19[%swap3A, %swap3A_657, %swap3A_658] : memref<4x64x64xf32, #tpu.memory_space<vmem>>, vector<4x64x64xf32>
    tpu.vector_store %arg19[%swap3A, %swap3A_657, %swap3A_658], %reshape3A_656 {strides = array<i32>} : memref<4x64x64xf32, #tpu.memory_space<vmem>>, vector<4x64x64xf32>,
    %get3A_660 = arith.constant 0 : index
    %get3A_661 = arith.constant 0 : index
    %get3A_662 = vector.load %arg13[%get3A_660, %get3A_661] : memref<128x128xf32, #tpu.memory_space<vmem>>, vector<128x128xf32>
    %dot_general3A_663 = arith.constant dense<0.000000e+00> : vector<256x128xf32>
    %dot_general3A_664 = tpu.matmul %add3A_633, %get3A_662, %dot_general3A_663 {dimension_numbers = #tpu.dot_dimension_numbers<[1], [0], [0], [1], [0, 0, 1, 1], [], []>, transpose_lhs_hint = false} : vector<256x128xf32>, vector<128x128xf32>, vector<256x128xf32> -> vector<256x128xf32>
    %reshape3A_665 = vector.shape_cast %dot_general3A_664 : vector<256x128xf32> to vector<4x64x128xf32>
    %get3A_666 = arith.constant 0 : index
    %get3A_667 = arith.constant 0 : index
    %get3A_668 = vector.load %arg14[%get3A_666, %get3A_667] : memref<128x128xf32, #tpu.memory_space<vmem>>, vector<128x128xf32>
    %dot_general3A_669 = arith.constant dense<0.000000e+00> : vector<256x128xf32>
    %dot_general3A_670 = tpu.matmul %add3A_633, %get3A_668, %dot_general3A_669 {dimension_numbers = #tpu.dot_dimension_numbers<[1], [0], [0], [1], [0, 0, 1, 1], [], []>, transpose_lhs_hint = false} : vector<256x128xf32>, vector<128x128xf32>, vector<256x128xf32> -> vector<256x128xf32>
    %reshape3A_671 = vector.shape_cast %dot_general3A_670 : vector<256x128xf32> to vector<4x64x128xf32>
    %slice3A_672 = vector.extract_strided_slice %reshape3A_665 {offsets = [0, 0, 0], sizes = [1, 64, 128], strides = [1, 1, 1]} : vector<4x64x128xf32> to vector<1x64x128xf32>
    %squeeze3A_673 = vector.shape_cast %slice3A_672 : vector<1x64x128xf32> to vector<64x128xf32>
    %slice3A_674 = vector.extract_strided_slice %reshape3A_671 {offsets = [0, 0, 0], sizes = [1, 64, 128], strides = [1, 1, 1]} : vector<4x64x128xf32> to vector<1x64x128xf32>
    %squeeze3A_675 = vector.shape_cast %slice3A_674 : vector<1x64x128xf32> to vector<64x128xf32>
    %dot_general3A_676 = arith.constant dense<0.000000e+00> : vector<64x64xf32>
    %dot_general3A_677 = tpu.matmul %squeeze3A_673, %squeeze3A_675, %dot_general3A_676 {dimension_numbers = #tpu.dot_dimension_numbers<[1], [1], [0], [0], [0, 0, 1, 0], [], []>, transpose_lhs_hint = false} : vector<64x128xf32>, vector<64x128xf32>, vector<64x64xf32> -> vector<64x64xf32>
    %slice3A_678 = vector.extract_strided_slice %reshape3A_665 {offsets = [1, 0, 0], sizes = [1, 64, 128], strides = [1, 1, 1]} : vector<4x64x128xf32> to vector<1x64x128xf32>
    %squeeze3A_679 = vector.shape_cast %slice3A_678 : vector<1x64x128xf32> to vector<64x128xf32>
    %slice3A_680 = vector.extract_strided_slice %reshape3A_671 {offsets = [1, 0, 0], sizes = [1, 64, 128], strides = [1, 1, 1]} : vector<4x64x128xf32> to vector<1x64x128xf32>
    %squeeze3A_681 = vector.shape_cast %slice3A_680 : vector<1x64x128xf32> to vector<64x128xf32>
    %dot_general3A_682 = arith.constant dense<0.000000e+00> : vector<64x64xf32>
    %dot_general3A_683 = tpu.matmul %squeeze3A_679, %squeeze3A_681, %dot_general3A_682 {dimension_numbers = #tpu.dot_dimension_numbers<[1], [1], [0], [0], [0, 0, 1, 0], [], []>, transpose_lhs_hint = false} : vector<64x128xf32>, vector<64x128xf32>, vector<64x64xf32> -> vector<64x64xf32>
    %slice3A_684 = vector.extract_strided_slice %reshape3A_665 {offsets = [2, 0, 0], sizes = [1, 64, 128], strides = [1, 1, 1]} : vector<4x64x128xf32> to vector<1x64x128xf32>
    %squeeze3A_685 = vector.shape_cast %slice3A_684 : vector<1x64x128xf32> to vector<64x128xf32>
    %slice3A_686 = vector.extract_strided_slice %reshape3A_671 {offsets = [2, 0, 0], sizes = [1, 64, 128], strides = [1, 1, 1]} : vector<4x64x128xf32> to vector<1x64x128xf32>
    %squeeze3A_687 = vector.shape_cast %slice3A_686 : vector<1x64x128xf32> to vector<64x128xf32>
    %dot_general3A_688 = arith.constant dense<0.000000e+00> : vector<64x64xf32>
    %dot_general3A_689 = tpu.matmul %squeeze3A_685, %squeeze3A_687, %dot_general3A_688 {dimension_numbers = #tpu.dot_dimension_numbers<[1], [1], [0], [0], [0, 0, 1, 0], [], []>, transpose_lhs_hint = false} : vector<64x128xf32>, vector<64x128xf32>, vector<64x64xf32> -> vector<64x64xf32>
    %slice3A_690 = vector.extract_strided_slice %reshape3A_665 {offsets = [3, 0, 0], sizes = [1, 64, 128], strides = [1, 1, 1]} : vector<4x64x128xf32> to vector<1x64x128xf32>
    %squeeze3A_691 = vector.shape_cast %slice3A_690 : vector<1x64x128xf32> to vector<64x128xf32>
    %slice3A_692 = vector.extract_strided_slice %reshape3A_671 {offsets = [3, 0, 0], sizes = [1, 64, 128], strides = [1, 1, 1]} : vector<4x64x128xf32> to vector<1x64x128xf32>
    %squeeze3A_693 = vector.shape_cast %slice3A_692 : vector<1x64x128xf32> to vector<64x128xf32>
    %dot_general3A_694 = arith.constant dense<0.000000e+00> : vector<64x64xf32>
    %dot_general3A_695 = tpu.matmul %squeeze3A_691, %squeeze3A_693, %dot_general3A_694 {dimension_numbers = #tpu.dot_dimension_numbers<[1], [1], [0], [0], [0, 0, 1, 0], [], []>, transpose_lhs_hint = false} : vector<64x128xf32>, vector<64x128xf32>, vector<64x64xf32> -> vector<64x64xf32>
    %stack3A_696 = vector.shape_cast %dot_general3A_677 : vector<64x64xf32> to vector<1x64x64xf32>
    %stack3A_697 = vector.shape_cast %dot_general3A_683 : vector<64x64xf32> to vector<1x64x64xf32>
    %stack3A_698 = vector.shape_cast %dot_general3A_689 : vector<64x64xf32> to vector<1x64x64xf32>
    %stack3A_699 = vector.shape_cast %dot_general3A_695 : vector<64x64xf32> to vector<1x64x64xf32>
    %stack3A_700 = tpu.concatenate %stack3A_696, %stack3A_697, %stack3A_698, %stack3A_699 in 0 : vector<1x64x64xf32>, vector<1x64x64xf32>, vector<1x64x64xf32>, vector<1x64x64xf32> -> vector<4x64x64xf32>
    %sqrt3A_701 = arith.constant 1.280000e+02 : f32
    %sqrt3A_702 = math.sqrt %sqrt3A_701 : f32
    %div3A = vector.broadcast %sqrt3A_702 : f32 to vector<4x64x64xf32>
    %div3A_703 = arith.divf %stack3A_700, %div3A : vector<4x64x64xf32>
    %iota3A = tpu.iota {dimensions = array<i32: 1>} : vector<4x64x64xi32>
    %iota3A_704 = tpu.iota {dimensions = array<i32: 2>} : vector<4x64x64xi32>
    %lt3A = arith.constant 2.000000e+00 : f32
    %lt3A_705 = vector.broadcast %lt3A : f32 to vector<4x64x64xf32>
    %lt3A_706 = arith.cmpf olt, %sqrt3A, %lt3A_705 : vector<4x64x64xf32>
    %ne3A = arith.cmpi ne, %iota3A, %iota3A_704 : vector<4x64x64xi32>
    %and3A = arith.andi %lt3A_706, %ne3A : vector<4x64x64xi1>
    %jit3A = arith.constant -1.000000e+09 : f32
    %broadcast_in_dim3A_707 = vector.broadcast %jit3A : f32 to vector<4x64x64xf32>
    %select_n3A = arith.select %and3A, %div3A_703, %broadcast_in_dim3A_707 : vector<4x64x64xi1>, vector<4x64x64xf32>
    %reduce_max3A = arith.constant dense<0xFF800000> : vector<4x64xf32>
    %reduce_max3A_708 = vector.multi_reduction <maximumf>, %select_n3A, %reduce_max3A [2] : vector<4x64x64xf32> to vector<4x64xf32>
    %broadcast_in_dim3A_709 = vector.shape_cast %reduce_max3A_708 : vector<4x64xf32> to vector<4x64x1xf32>
    %eq3A = vector.broadcast %broadcast_in_dim3A_709 : vector<4x64x1xf32> to vector<4x64x64xf32>
    %eq3A_710 = arith.cmpf oeq, %select_n3A, %eq3A : vector<4x64x64xf32>
    %jit3A_711 = arith.constant 64 : i32
    %broadcast_in_dim3A_712 = vector.broadcast %jit3A_711 : i32 to vector<4x64x64xi32>
    %select_n3A_713 = arith.select %eq3A_710, %iota3A_704, %broadcast_in_dim3A_712 : vector<4x64x64xi1>, vector<4x64x64xi32>
    %reduce_min3A = arith.constant dense<2147483647> : vector<4x64xi32>
    %reduce_min3A_714 = vector.multi_reduction <minsi>, %select_n3A_713, %reduce_min3A [2] : vector<4x64x64xi32> to vector<4x64xi32>
    %broadcast_in_dim3A_715 = vector.shape_cast %reduce_min3A_714 : vector<4x64xi32> to vector<4x64x1xi32>
    %eq3A_716 = vector.broadcast %broadcast_in_dim3A_715 : vector<4x64x1xi32> to vector<4x64x64xi32>
    %eq3A_717 = arith.cmpi eq, %iota3A_704, %eq3A_716 : vector<4x64x64xi32>
    %convert_element_type3A = arith.extui %eq3A_717 : vector<4x64x64xi1> to vector<4x64x64xi32>
    %convert_element_type3A_718 = arith.sitofp %convert_element_type3A : vector<4x64x64xi32> to vector<4x64x64xf32>
    %broadcast_in_dim3A_719 = vector.shape_cast %convert_element_type3A_718 : vector<4x64x64xf32> to vector<4x64x1x64xf32>
    %jit3A_720 = arith.constant -9.99999968E+37 : f32
    %broadcast_in_dim3A_721 = vector.broadcast %jit3A_720 : f32 to vector<4x64x64xf32>
    %select_n3A_722 = arith.select %eq3A_717, %broadcast_in_dim3A_721, %select_n3A : vector<4x64x64xi1>, vector<4x64x64xf32>
    %reduce_max3A_723 = arith.constant dense<0xFF800000> : vector<4x64xf32>
    %reduce_max3A_724 = vector.multi_reduction <maximumf>, %select_n3A_722, %reduce_max3A_723 [2] : vector<4x64x64xf32> to vector<4x64xf32>
    %broadcast_in_dim3A_725 = vector.shape_cast %reduce_max3A_724 : vector<4x64xf32> to vector<4x64x1xf32>
    %eq3A_726 = vector.broadcast %broadcast_in_dim3A_725 : vector<4x64x1xf32> to vector<4x64x64xf32>
    %eq3A_727 = arith.cmpf oeq, %select_n3A_722, %eq3A_726 : vector<4x64x64xf32>
    %jit3A_728 = arith.constant 64 : i32
    %broadcast_in_dim3A_729 = vector.broadcast %jit3A_728 : i32 to vector<4x64x64xi32>
    %select_n3A_730 = arith.select %eq3A_727, %iota3A_704, %broadcast_in_dim3A_729 : vector<4x64x64xi1>, vector<4x64x64xi32>
    %reduce_min3A_731 = arith.constant dense<2147483647> : vector<4x64xi32>
    %reduce_min3A_732 = vector.multi_reduction <minsi>, %select_n3A_730, %reduce_min3A_731 [2] : vector<4x64x64xi32> to vector<4x64xi32>
    %broadcast_in_dim3A_733 = vector.shape_cast %reduce_min3A_732 : vector<4x64xi32> to vector<4x64x1xi32>
    %eq3A_734 = vector.broadcast %broadcast_in_dim3A_733 : vector<4x64x1xi32> to vector<4x64x64xi32>
    %eq3A_735 = arith.cmpi eq, %iota3A_704, %eq3A_734 : vector<4x64x64xi32>
    %convert_element_type3A_736 = arith.extui %eq3A_735 : vector<4x64x64xi1> to vector<4x64x64xi32>
    %convert_element_type3A_737 = arith.sitofp %convert_element_type3A_736 : vector<4x64x64xi32> to vector<4x64x64xf32>
    %broadcast_in_dim3A_738 = vector.shape_cast %convert_element_type3A_737 : vector<4x64x64xf32> to vector<4x64x1x64xf32>
    %jit3A_739 = arith.constant -9.99999968E+37 : f32
    %broadcast_in_dim3A_740 = vector.broadcast %jit3A_739 : f32 to vector<4x64x64xf32>
    %select_n3A_741 = arith.select %eq3A_735, %broadcast_in_dim3A_740, %select_n3A_722 : vector<4x64x64xi1>, vector<4x64x64xf32>
    %reduce_max3A_742 = arith.constant dense<0xFF800000> : vector<4x64xf32>
    %reduce_max3A_743 = vector.multi_reduction <maximumf>, %select_n3A_741, %reduce_max3A_742 [2] : vector<4x64x64xf32> to vector<4x64xf32>
    %broadcast_in_dim3A_744 = vector.shape_cast %reduce_max3A_743 : vector<4x64xf32> to vector<4x64x1xf32>
    %eq3A_745 = vector.broadcast %broadcast_in_dim3A_744 : vector<4x64x1xf32> to vector<4x64x64xf32>
    %eq3A_746 = arith.cmpf oeq, %select_n3A_741, %eq3A_745 : vector<4x64x64xf32>
    %jit3A_747 = arith.constant 64 : i32
    %broadcast_in_dim3A_748 = vector.broadcast %jit3A_747 : i32 to vector<4x64x64xi32>
    %select_n3A_749 = arith.select %eq3A_746, %iota3A_704, %broadcast_in_dim3A_748 : vector<4x64x64xi1>, vector<4x64x64xi32>
    %reduce_min3A_750 = arith.constant dense<2147483647> : vector<4x64xi32>
    %reduce_min3A_751 = vector.multi_reduction <minsi>, %select_n3A_749, %reduce_min3A_750 [2] : vector<4x64x64xi32> to vector<4x64xi32>
    %broadcast_in_dim3A_752 = vector.shape_cast %reduce_min3A_751 : vector<4x64xi32> to vector<4x64x1xi32>
    %eq3A_753 = vector.broadcast %broadcast_in_dim3A_752 : vector<4x64x1xi32> to vector<4x64x64xi32>
    %eq3A_754 = arith.cmpi eq, %iota3A_704, %eq3A_753 : vector<4x64x64xi32>
    %convert_element_type3A_755 = arith.extui %eq3A_754 : vector<4x64x64xi1> to vector<4x64x64xi32>
    %convert_element_type3A_756 = arith.sitofp %convert_element_type3A_755 : vector<4x64x64xi32> to vector<4x64x64xf32>
    %broadcast_in_dim3A_757 = vector.shape_cast %convert_element_type3A_756 : vector<4x64x64xf32> to vector<4x64x1x64xf32>
    %jit3A_758 = arith.constant -9.99999968E+37 : f32
    %broadcast_in_dim3A_759 = vector.broadcast %jit3A_758 : f32 to vector<4x64x64xf32>
    %select_n3A_760 = arith.select %eq3A_754, %broadcast_in_dim3A_759, %select_n3A_741 : vector<4x64x64xi1>, vector<4x64x64xf32>
    %reduce_max3A_761 = arith.constant dense<0xFF800000> : vector<4x64xf32>
    %reduce_max3A_762 = vector.multi_reduction <maximumf>, %select_n3A_760, %reduce_max3A_761 [2] : vector<4x64x64xf32> to vector<4x64xf32>
    %broadcast_in_dim3A_763 = vector.shape_cast %reduce_max3A_762 : vector<4x64xf32> to vector<4x64x1xf32>
    %eq3A_764 = vector.broadcast %broadcast_in_dim3A_763 : vector<4x64x1xf32> to vector<4x64x64xf32>
    %eq3A_765 = arith.cmpf oeq, %select_n3A_760, %eq3A_764 : vector<4x64x64xf32>
    %jit3A_766 = arith.constant 64 : i32
    %broadcast_in_dim3A_767 = vector.broadcast %jit3A_766 : i32 to vector<4x64x64xi32>
    %select_n3A_768 = arith.select %eq3A_765, %iota3A_704, %broadcast_in_dim3A_767 : vector<4x64x64xi1>, vector<4x64x64xi32>
    %reduce_min3A_769 = arith.constant dense<2147483647> : vector<4x64xi32>
    %reduce_min3A_770 = vector.multi_reduction <minsi>, %select_n3A_768, %reduce_min3A_769 [2] : vector<4x64x64xi32> to vector<4x64xi32>
    %broadcast_in_dim3A_771 = vector.shape_cast %reduce_min3A_770 : vector<4x64xi32> to vector<4x64x1xi32>
    %eq3A_772 = vector.broadcast %broadcast_in_dim3A_771 : vector<4x64x1xi32> to vector<4x64x64xi32>
    %eq3A_773 = arith.cmpi eq, %iota3A_704, %eq3A_772 : vector<4x64x64xi32>
    %convert_element_type3A_774 = arith.extui %eq3A_773 : vector<4x64x64xi1> to vector<4x64x64xi32>
    %convert_element_type3A_775 = arith.sitofp %convert_element_type3A_774 : vector<4x64x64xi32> to vector<4x64x64xf32>
    %broadcast_in_dim3A_776 = vector.shape_cast %convert_element_type3A_775 : vector<4x64x64xf32> to vector<4x64x1x64xf32>
    %jit3A_777 = arith.constant -9.99999968E+37 : f32
    %broadcast_in_dim3A_778 = vector.broadcast %jit3A_777 : f32 to vector<4x64x64xf32>
    %select_n3A_779 = arith.select %eq3A_773, %broadcast_in_dim3A_778, %select_n3A_760 : vector<4x64x64xi1>, vector<4x64x64xf32>
    %reduce_max3A_780 = arith.constant dense<0xFF800000> : vector<4x64xf32>
    %reduce_max3A_781 = vector.multi_reduction <maximumf>, %select_n3A_779, %reduce_max3A_780 [2] : vector<4x64x64xf32> to vector<4x64xf32>
    %broadcast_in_dim3A_782 = vector.shape_cast %reduce_max3A_781 : vector<4x64xf32> to vector<4x64x1xf32>
    %eq3A_783 = vector.broadcast %broadcast_in_dim3A_782 : vector<4x64x1xf32> to vector<4x64x64xf32>
    %eq3A_784 = arith.cmpf oeq, %select_n3A_779, %eq3A_783 : vector<4x64x64xf32>
    %jit3A_785 = arith.constant 64 : i32
    %broadcast_in_dim3A_786 = vector.broadcast %jit3A_785 : i32 to vector<4x64x64xi32>
    %select_n3A_787 = arith.select %eq3A_784, %iota3A_704, %broadcast_in_dim3A_786 : vector<4x64x64xi1>, vector<4x64x64xi32>
    %reduce_min3A_788 = arith.constant dense<2147483647> : vector<4x64xi32>
    %reduce_min3A_789 = vector.multi_reduction <minsi>, %select_n3A_787, %reduce_min3A_788 [2] : vector<4x64x64xi32> to vector<4x64xi32>
    %broadcast_in_dim3A_790 = vector.shape_cast %reduce_min3A_789 : vector<4x64xi32> to vector<4x64x1xi32>
    %eq3A_791 = vector.broadcast %broadcast_in_dim3A_790 : vector<4x64x1xi32> to vector<4x64x64xi32>
    %eq3A_792 = arith.cmpi eq, %iota3A_704, %eq3A_791 : vector<4x64x64xi32>
    %convert_element_type3A_793 = arith.extui %eq3A_792 : vector<4x64x64xi1> to vector<4x64x64xi32>
    %convert_element_type3A_794 = arith.sitofp %convert_element_type3A_793 : vector<4x64x64xi32> to vector<4x64x64xf32>
    %broadcast_in_dim3A_795 = vector.shape_cast %convert_element_type3A_794 : vector<4x64x64xf32> to vector<4x64x1x64xf32>
    %jit3A_796 = arith.constant -9.99999968E+37 : f32
    %broadcast_in_dim3A_797 = vector.broadcast %jit3A_796 : f32 to vector<4x64x64xf32>
    %select_n3A_798 = arith.select %eq3A_792, %broadcast_in_dim3A_797, %select_n3A_779 : vector<4x64x64xi1>, vector<4x64x64xf32>
    %reduce_max3A_799 = arith.constant dense<0xFF800000> : vector<4x64xf32>
    %reduce_max3A_800 = vector.multi_reduction <maximumf>, %select_n3A_798, %reduce_max3A_799 [2] : vector<4x64x64xf32> to vector<4x64xf32>
    %broadcast_in_dim3A_801 = vector.shape_cast %reduce_max3A_800 : vector<4x64xf32> to vector<4x64x1xf32>
    %eq3A_802 = vector.broadcast %broadcast_in_dim3A_801 : vector<4x64x1xf32> to vector<4x64x64xf32>
    %eq3A_803 = arith.cmpf oeq, %select_n3A_798, %eq3A_802 : vector<4x64x64xf32>
    %jit3A_804 = arith.constant 64 : i32
    %broadcast_in_dim3A_805 = vector.broadcast %jit3A_804 : i32 to vector<4x64x64xi32>
    %select_n3A_806 = arith.select %eq3A_803, %iota3A_704, %broadcast_in_dim3A_805 : vector<4x64x64xi1>, vector<4x64x64xi32>
    %reduce_min3A_807 = arith.constant dense<2147483647> : vector<4x64xi32>
    %reduce_min3A_808 = vector.multi_reduction <minsi>, %select_n3A_806, %reduce_min3A_807 [2] : vector<4x64x64xi32> to vector<4x64xi32>
    %broadcast_in_dim3A_809 = vector.shape_cast %reduce_min3A_808 : vector<4x64xi32> to vector<4x64x1xi32>
    %eq3A_810 = vector.broadcast %broadcast_in_dim3A_809 : vector<4x64x1xi32> to vector<4x64x64xi32>
    %eq3A_811 = arith.cmpi eq, %iota3A_704, %eq3A_810 : vector<4x64x64xi32>
    %convert_element_type3A_812 = arith.extui %eq3A_811 : vector<4x64x64xi1> to vector<4x64x64xi32>
    %convert_element_type3A_813 = arith.sitofp %convert_element_type3A_812 : vector<4x64x64xi32> to vector<4x64x64xf32>
    %broadcast_in_dim3A_814 = vector.shape_cast %convert_element_type3A_813 : vector<4x64x64xf32> to vector<4x64x1x64xf32>
    %jit3A_815 = arith.constant -9.99999968E+37 : f32
    %broadcast_in_dim3A_816 = vector.broadcast %jit3A_815 : f32 to vector<4x64x64xf32>
    %select_n3A_817 = arith.select %eq3A_811, %broadcast_in_dim3A_816, %select_n3A_798 : vector<4x64x64xi1>, vector<4x64x64xf32>
    %reduce_max3A_818 = arith.constant dense<0xFF800000> : vector<4x64xf32>
    %reduce_max3A_819 = vector.multi_reduction <maximumf>, %select_n3A_817, %reduce_max3A_818 [2] : vector<4x64x64xf32> to vector<4x64xf32>
    %broadcast_in_dim3A_820 = vector.shape_cast %reduce_max3A_819 : vector<4x64xf32> to vector<4x64x1xf32>
    %eq3A_821 = vector.broadcast %broadcast_in_dim3A_820 : vector<4x64x1xf32> to vector<4x64x64xf32>
    %eq3A_822 = arith.cmpf oeq, %select_n3A_817, %eq3A_821 : vector<4x64x64xf32>
    %jit3A_823 = arith.constant 64 : i32
    %broadcast_in_dim3A_824 = vector.broadcast %jit3A_823 : i32 to vector<4x64x64xi32>
    %select_n3A_825 = arith.select %eq3A_822, %iota3A_704, %broadcast_in_dim3A_824 : vector<4x64x64xi1>, vector<4x64x64xi32>
    %reduce_min3A_826 = arith.constant dense<2147483647> : vector<4x64xi32>
    %reduce_min3A_827 = vector.multi_reduction <minsi>, %select_n3A_825, %reduce_min3A_826 [2] : vector<4x64x64xi32> to vector<4x64xi32>
    %broadcast_in_dim3A_828 = vector.shape_cast %reduce_min3A_827 : vector<4x64xi32> to vector<4x64x1xi32>
    %eq3A_829 = vector.broadcast %broadcast_in_dim3A_828 : vector<4x64x1xi32> to vector<4x64x64xi32>
    %eq3A_830 = arith.cmpi eq, %iota3A_704, %eq3A_829 : vector<4x64x64xi32>
    %convert_element_type3A_831 = arith.extui %eq3A_830 : vector<4x64x64xi1> to vector<4x64x64xi32>
    %convert_element_type3A_832 = arith.sitofp %convert_element_type3A_831 : vector<4x64x64xi32> to vector<4x64x64xf32>
    %broadcast_in_dim3A_833 = vector.shape_cast %convert_element_type3A_832 : vector<4x64x64xf32> to vector<4x64x1x64xf32>
    %jit3A_834 = arith.constant -9.99999968E+37 : f32
    %broadcast_in_dim3A_835 = vector.broadcast %jit3A_834 : f32 to vector<4x64x64xf32>
    %select_n3A_836 = arith.select %eq3A_830, %broadcast_in_dim3A_835, %select_n3A_817 : vector<4x64x64xi1>, vector<4x64x64xf32>
    %reduce_max3A_837 = arith.constant dense<0xFF800000> : vector<4x64xf32>
    %reduce_max3A_838 = vector.multi_reduction <maximumf>, %select_n3A_836, %reduce_max3A_837 [2] : vector<4x64x64xf32> to vector<4x64xf32>
    %broadcast_in_dim3A_839 = vector.shape_cast %reduce_max3A_838 : vector<4x64xf32> to vector<4x64x1xf32>
    %eq3A_840 = vector.broadcast %broadcast_in_dim3A_839 : vector<4x64x1xf32> to vector<4x64x64xf32>
    %eq3A_841 = arith.cmpf oeq, %select_n3A_836, %eq3A_840 : vector<4x64x64xf32>
    %jit3A_842 = arith.constant 64 : i32
    %broadcast_in_dim3A_843 = vector.broadcast %jit3A_842 : i32 to vector<4x64x64xi32>
    %select_n3A_844 = arith.select %eq3A_841, %iota3A_704, %broadcast_in_dim3A_843 : vector<4x64x64xi1>, vector<4x64x64xi32>
    %reduce_min3A_845 = arith.constant dense<2147483647> : vector<4x64xi32>
    %reduce_min3A_846 = vector.multi_reduction <minsi>, %select_n3A_844, %reduce_min3A_845 [2] : vector<4x64x64xi32> to vector<4x64xi32>
    %broadcast_in_dim3A_847 = vector.shape_cast %reduce_min3A_846 : vector<4x64xi32> to vector<4x64x1xi32>
    %eq3A_848 = vector.broadcast %broadcast_in_dim3A_847 : vector<4x64x1xi32> to vector<4x64x64xi32>
    %eq3A_849 = arith.cmpi eq, %iota3A_704, %eq3A_848 : vector<4x64x64xi32>
    %convert_element_type3A_850 = arith.extui %eq3A_849 : vector<4x64x64xi1> to vector<4x64x64xi32>
    %convert_element_type3A_851 = arith.sitofp %convert_element_type3A_850 : vector<4x64x64xi32> to vector<4x64x64xf32>
    %broadcast_in_dim3A_852 = vector.shape_cast %convert_element_type3A_851 : vector<4x64x64xf32> to vector<4x64x1x64xf32>
    %jit3A_853 = arith.constant -9.99999968E+37 : f32
    %broadcast_in_dim3A_854 = vector.broadcast %jit3A_853 : f32 to vector<4x64x64xf32>
    %select_n3A_855 = arith.select %eq3A_849, %broadcast_in_dim3A_854, %select_n3A_836 : vector<4x64x64xi1>, vector<4x64x64xf32>
    %reduce_max3A_856 = arith.constant dense<0xFF800000> : vector<4x64xf32>
    %reduce_max3A_857 = vector.multi_reduction <maximumf>, %select_n3A_855, %reduce_max3A_856 [2] : vector<4x64x64xf32> to vector<4x64xf32>
    %broadcast_in_dim3A_858 = vector.shape_cast %reduce_max3A_857 : vector<4x64xf32> to vector<4x64x1xf32>
    %eq3A_859 = vector.broadcast %broadcast_in_dim3A_858 : vector<4x64x1xf32> to vector<4x64x64xf32>
    %eq3A_860 = arith.cmpf oeq, %select_n3A_855, %eq3A_859 : vector<4x64x64xf32>
    %jit3A_861 = arith.constant 64 : i32
    %broadcast_in_dim3A_862 = vector.broadcast %jit3A_861 : i32 to vector<4x64x64xi32>
    %select_n3A_863 = arith.select %eq3A_860, %iota3A_704, %broadcast_in_dim3A_862 : vector<4x64x64xi1>, vector<4x64x64xi32>
    %reduce_min3A_864 = arith.constant dense<2147483647> : vector<4x64xi32>
    %reduce_min3A_865 = vector.multi_reduction <minsi>, %select_n3A_863, %reduce_min3A_864 [2] : vector<4x64x64xi32> to vector<4x64xi32>
    %broadcast_in_dim3A_866 = vector.shape_cast %reduce_min3A_865 : vector<4x64xi32> to vector<4x64x1xi32>
    %eq3A_867 = vector.broadcast %broadcast_in_dim3A_866 : vector<4x64x1xi32> to vector<4x64x64xi32>
    %eq3A_868 = arith.cmpi eq, %iota3A_704, %eq3A_867 : vector<4x64x64xi32>
    %convert_element_type3A_869 = arith.extui %eq3A_868 : vector<4x64x64xi1> to vector<4x64x64xi32>
    %convert_element_type3A_870 = arith.sitofp %convert_element_type3A_869 : vector<4x64x64xi32> to vector<4x64x64xf32>
    %broadcast_in_dim3A_871 = vector.shape_cast %convert_element_type3A_870 : vector<4x64x64xf32> to vector<4x64x1x64xf32>
    %jit3A_872 = arith.constant -9.99999968E+37 : f32
    %broadcast_in_dim3A_873 = vector.broadcast %jit3A_872 : f32 to vector<4x64x64xf32>
    %select_n3A_874 = arith.select %eq3A_868, %broadcast_in_dim3A_873, %select_n3A_855 : vector<4x64x64xi1>, vector<4x64x64xf32>
    %reduce_max3A_875 = arith.constant dense<0xFF800000> : vector<4x64xf32>
    %reduce_max3A_876 = vector.multi_reduction <maximumf>, %select_n3A_874, %reduce_max3A_875 [2] : vector<4x64x64xf32> to vector<4x64xf32>
    %broadcast_in_dim3A_877 = vector.shape_cast %reduce_max3A_876 : vector<4x64xf32> to vector<4x64x1xf32>
    %eq3A_878 = vector.broadcast %broadcast_in_dim3A_877 : vector<4x64x1xf32> to vector<4x64x64xf32>
    %eq3A_879 = arith.cmpf oeq, %select_n3A_874, %eq3A_878 : vector<4x64x64xf32>
    %jit3A_880 = arith.constant 64 : i32
    %broadcast_in_dim3A_881 = vector.broadcast %jit3A_880 : i32 to vector<4x64x64xi32>
    %select_n3A_882 = arith.select %eq3A_879, %iota3A_704, %broadcast_in_dim3A_881 : vector<4x64x64xi1>, vector<4x64x64xi32>
    %reduce_min3A_883 = arith.constant dense<2147483647> : vector<4x64xi32>
    %reduce_min3A_884 = vector.multi_reduction <minsi>, %select_n3A_882, %reduce_min3A_883 [2] : vector<4x64x64xi32> to vector<4x64xi32>
    %broadcast_in_dim3A_885 = vector.shape_cast %reduce_min3A_884 : vector<4x64xi32> to vector<4x64x1xi32>
    %eq3A_886 = vector.broadcast %broadcast_in_dim3A_885 : vector<4x64x1xi32> to vector<4x64x64xi32>
    %eq3A_887 = arith.cmpi eq, %iota3A_704, %eq3A_886 : vector<4x64x64xi32>
    %convert_element_type3A_888 = arith.extui %eq3A_887 : vector<4x64x64xi1> to vector<4x64x64xi32>
    %convert_element_type3A_889 = arith.sitofp %convert_element_type3A_888 : vector<4x64x64xi32> to vector<4x64x64xf32>
    %broadcast_in_dim3A_890 = vector.shape_cast %convert_element_type3A_889 : vector<4x64x64xf32> to vector<4x64x1x64xf32>
    %jit3A_891 = arith.constant -9.99999968E+37 : f32
    %broadcast_in_dim3A_892 = vector.broadcast %jit3A_891 : f32 to vector<4x64x64xf32>
    %select_n3A_893 = arith.select %eq3A_887, %broadcast_in_dim3A_892, %select_n3A_874 : vector<4x64x64xi1>, vector<4x64x64xf32>
    %reduce_max3A_894 = arith.constant dense<0xFF800000> : vector<4x64xf32>
    %reduce_max3A_895 = vector.multi_reduction <maximumf>, %select_n3A_893, %reduce_max3A_894 [2] : vector<4x64x64xf32> to vector<4x64xf32>
    %broadcast_in_dim3A_896 = vector.shape_cast %reduce_max3A_895 : vector<4x64xf32> to vector<4x64x1xf32>
    %eq3A_897 = vector.broadcast %broadcast_in_dim3A_896 : vector<4x64x1xf32> to vector<4x64x64xf32>
    %eq3A_898 = arith.cmpf oeq, %select_n3A_893, %eq3A_897 : vector<4x64x64xf32>
    %jit3A_899 = arith.constant 64 : i32
    %broadcast_in_dim3A_900 = vector.broadcast %jit3A_899 : i32 to vector<4x64x64xi32>
    %select_n3A_901 = arith.select %eq3A_898, %iota3A_704, %broadcast_in_dim3A_900 : vector<4x64x64xi1>, vector<4x64x64xi32>
    %reduce_min3A_902 = arith.constant dense<2147483647> : vector<4x64xi32>
    %reduce_min3A_903 = vector.multi_reduction <minsi>, %select_n3A_901, %reduce_min3A_902 [2] : vector<4x64x64xi32> to vector<4x64xi32>
    %broadcast_in_dim3A_904 = vector.shape_cast %reduce_min3A_903 : vector<4x64xi32> to vector<4x64x1xi32>
    %eq3A_905 = vector.broadcast %broadcast_in_dim3A_904 : vector<4x64x1xi32> to vector<4x64x64xi32>
    %eq3A_906 = arith.cmpi eq, %iota3A_704, %eq3A_905 : vector<4x64x64xi32>
    %convert_element_type3A_907 = arith.extui %eq3A_906 : vector<4x64x64xi1> to vector<4x64x64xi32>
    %convert_element_type3A_908 = arith.sitofp %convert_element_type3A_907 : vector<4x64x64xi32> to vector<4x64x64xf32>
    %broadcast_in_dim3A_909 = vector.shape_cast %convert_element_type3A_908 : vector<4x64x64xf32> to vector<4x64x1x64xf32>
    %jit3A_910 = arith.constant -9.99999968E+37 : f32
    %broadcast_in_dim3A_911 = vector.broadcast %jit3A_910 : f32 to vector<4x64x64xf32>
    %select_n3A_912 = arith.select %eq3A_906, %broadcast_in_dim3A_911, %select_n3A_893 : vector<4x64x64xi1>, vector<4x64x64xf32>
    %reduce_max3A_913 = arith.constant dense<0xFF800000> : vector<4x64xf32>
    %reduce_max3A_914 = vector.multi_reduction <maximumf>, %select_n3A_912, %reduce_max3A_913 [2] : vector<4x64x64xf32> to vector<4x64xf32>
    %broadcast_in_dim3A_915 = vector.shape_cast %reduce_max3A_914 : vector<4x64xf32> to vector<4x64x1xf32>
    %eq3A_916 = vector.broadcast %broadcast_in_dim3A_915 : vector<4x64x1xf32> to vector<4x64x64xf32>
    %eq3A_917 = arith.cmpf oeq, %select_n3A_912, %eq3A_916 : vector<4x64x64xf32>
    %jit3A_918 = arith.constant 64 : i32
    %broadcast_in_dim3A_919 = vector.broadcast %jit3A_918 : i32 to vector<4x64x64xi32>
    %select_n3A_920 = arith.select %eq3A_917, %iota3A_704, %broadcast_in_dim3A_919 : vector<4x64x64xi1>, vector<4x64x64xi32>
    %reduce_min3A_921 = arith.constant dense<2147483647> : vector<4x64xi32>
    %reduce_min3A_922 = vector.multi_reduction <minsi>, %select_n3A_920, %reduce_min3A_921 [2] : vector<4x64x64xi32> to vector<4x64xi32>
    %broadcast_in_dim3A_923 = vector.shape_cast %reduce_min3A_922 : vector<4x64xi32> to vector<4x64x1xi32>
    %eq3A_924 = vector.broadcast %broadcast_in_dim3A_923 : vector<4x64x1xi32> to vector<4x64x64xi32>
    %eq3A_925 = arith.cmpi eq, %iota3A_704, %eq3A_924 : vector<4x64x64xi32>
    %convert_element_type3A_926 = arith.extui %eq3A_925 : vector<4x64x64xi1> to vector<4x64x64xi32>
    %convert_element_type3A_927 = arith.sitofp %convert_element_type3A_926 : vector<4x64x64xi32> to vector<4x64x64xf32>
    %broadcast_in_dim3A_928 = vector.shape_cast %convert_element_type3A_927 : vector<4x64x64xf32> to vector<4x64x1x64xf32>
    %jit3A_929 = arith.constant -9.99999968E+37 : f32
    %broadcast_in_dim3A_930 = vector.broadcast %jit3A_929 : f32 to vector<4x64x64xf32>
    %select_n3A_931 = arith.select %eq3A_925, %broadcast_in_dim3A_930, %select_n3A_912 : vector<4x64x64xi1>, vector<4x64x64xf32>
    %reduce_max3A_932 = arith.constant dense<0xFF800000> : vector<4x64xf32>
    %reduce_max3A_933 = vector.multi_reduction <maximumf>, %select_n3A_931, %reduce_max3A_932 [2] : vector<4x64x64xf32> to vector<4x64xf32>
    %broadcast_in_dim3A_934 = vector.shape_cast %reduce_max3A_933 : vector<4x64xf32> to vector<4x64x1xf32>
    %eq3A_935 = vector.broadcast %broadcast_in_dim3A_934 : vector<4x64x1xf32> to vector<4x64x64xf32>
    %eq3A_936 = arith.cmpf oeq, %select_n3A_931, %eq3A_935 : vector<4x64x64xf32>
    %jit3A_937 = arith.constant 64 : i32
    %broadcast_in_dim3A_938 = vector.broadcast %jit3A_937 : i32 to vector<4x64x64xi32>
    %select_n3A_939 = arith.select %eq3A_936, %iota3A_704, %broadcast_in_dim3A_938 : vector<4x64x64xi1>, vector<4x64x64xi32>
    %reduce_min3A_940 = arith.constant dense<2147483647> : vector<4x64xi32>
    %reduce_min3A_941 = vector.multi_reduction <minsi>, %select_n3A_939, %reduce_min3A_940 [2] : vector<4x64x64xi32> to vector<4x64xi32>
    %broadcast_in_dim3A_942 = vector.shape_cast %reduce_min3A_941 : vector<4x64xi32> to vector<4x64x1xi32>
    %eq3A_943 = vector.broadcast %broadcast_in_dim3A_942 : vector<4x64x1xi32> to vector<4x64x64xi32>
    %eq3A_944 = arith.cmpi eq, %iota3A_704, %eq3A_943 : vector<4x64x64xi32>
    %convert_element_type3A_945 = arith.extui %eq3A_944 : vector<4x64x64xi1> to vector<4x64x64xi32>
    %convert_element_type3A_946 = arith.sitofp %convert_element_type3A_945 : vector<4x64x64xi32> to vector<4x64x64xf32>
    %broadcast_in_dim3A_947 = vector.shape_cast %convert_element_type3A_946 : vector<4x64x64xf32> to vector<4x64x1x64xf32>
    %jit3A_948 = arith.constant -9.99999968E+37 : f32
    %broadcast_in_dim3A_949 = vector.broadcast %jit3A_948 : f32 to vector<4x64x64xf32>
    %select_n3A_950 = arith.select %eq3A_944, %broadcast_in_dim3A_949, %select_n3A_931 : vector<4x64x64xi1>, vector<4x64x64xf32>
    %reduce_max3A_951 = arith.constant dense<0xFF800000> : vector<4x64xf32>
    %reduce_max3A_952 = vector.multi_reduction <maximumf>, %select_n3A_950, %reduce_max3A_951 [2] : vector<4x64x64xf32> to vector<4x64xf32>
    %broadcast_in_dim3A_953 = vector.shape_cast %reduce_max3A_952 : vector<4x64xf32> to vector<4x64x1xf32>
    %eq3A_954 = vector.broadcast %broadcast_in_dim3A_953 : vector<4x64x1xf32> to vector<4x64x64xf32>
    %eq3A_955 = arith.cmpf oeq, %select_n3A_950, %eq3A_954 : vector<4x64x64xf32>
    %jit3A_956 = arith.constant 64 : i32
    %broadcast_in_dim3A_957 = vector.broadcast %jit3A_956 : i32 to vector<4x64x64xi32>
    %select_n3A_958 = arith.select %eq3A_955, %iota3A_704, %broadcast_in_dim3A_957 : vector<4x64x64xi1>, vector<4x64x64xi32>
    %reduce_min3A_959 = arith.constant dense<2147483647> : vector<4x64xi32>
    %reduce_min3A_960 = vector.multi_reduction <minsi>, %select_n3A_958, %reduce_min3A_959 [2] : vector<4x64x64xi32> to vector<4x64xi32>
    %broadcast_in_dim3A_961 = vector.shape_cast %reduce_min3A_960 : vector<4x64xi32> to vector<4x64x1xi32>
    %eq3A_962 = vector.broadcast %broadcast_in_dim3A_961 : vector<4x64x1xi32> to vector<4x64x64xi32>
    %eq3A_963 = arith.cmpi eq, %iota3A_704, %eq3A_962 : vector<4x64x64xi32>
    %convert_element_type3A_964 = arith.extui %eq3A_963 : vector<4x64x64xi1> to vector<4x64x64xi32>
    %convert_element_type3A_965 = arith.sitofp %convert_element_type3A_964 : vector<4x64x64xi32> to vector<4x64x64xf32>
    %broadcast_in_dim3A_966 = vector.shape_cast %convert_element_type3A_965 : vector<4x64x64xf32> to vector<4x64x1x64xf32>
    %jit3A_967 = arith.constant -9.99999968E+37 : f32
    %broadcast_in_dim3A_968 = vector.broadcast %jit3A_967 : f32 to vector<4x64x64xf32>
    %select_n3A_969 = arith.select %eq3A_963, %broadcast_in_dim3A_968, %select_n3A_950 : vector<4x64x64xi1>, vector<4x64x64xf32>
    %reduce_max3A_970 = arith.constant dense<0xFF800000> : vector<4x64xf32>
    %reduce_max3A_971 = vector.multi_reduction <maximumf>, %select_n3A_969, %reduce_max3A_970 [2] : vector<4x64x64xf32> to vector<4x64xf32>
    %broadcast_in_dim3A_972 = vector.shape_cast %reduce_max3A_971 : vector<4x64xf32> to vector<4x64x1xf32>
    %eq3A_973 = vector.broadcast %broadcast_in_dim3A_972 : vector<4x64x1xf32> to vector<4x64x64xf32>
    %eq3A_974 = arith.cmpf oeq, %select_n3A_969, %eq3A_973 : vector<4x64x64xf32>
    %jit3A_975 = arith.constant 64 : i32
    %broadcast_in_dim3A_976 = vector.broadcast %jit3A_975 : i32 to vector<4x64x64xi32>
    %select_n3A_977 = arith.select %eq3A_974, %iota3A_704, %broadcast_in_dim3A_976 : vector<4x64x64xi1>, vector<4x64x64xi32>
    %reduce_min3A_978 = arith.constant dense<2147483647> : vector<4x64xi32>
    %reduce_min3A_979 = vector.multi_reduction <minsi>, %select_n3A_977, %reduce_min3A_978 [2] : vector<4x64x64xi32> to vector<4x64xi32>
    %broadcast_in_dim3A_980 = vector.shape_cast %reduce_min3A_979 : vector<4x64xi32> to vector<4x64x1xi32>
    %eq3A_981 = vector.broadcast %broadcast_in_dim3A_980 : vector<4x64x1xi32> to vector<4x64x64xi32>
    %eq3A_982 = arith.cmpi eq, %iota3A_704, %eq3A_981 : vector<4x64x64xi32>
    %convert_element_type3A_983 = arith.extui %eq3A_982 : vector<4x64x64xi1> to vector<4x64x64xi32>
    %convert_element_type3A_984 = arith.sitofp %convert_element_type3A_983 : vector<4x64x64xi32> to vector<4x64x64xf32>
    %broadcast_in_dim3A_985 = vector.shape_cast %convert_element_type3A_984 : vector<4x64x64xf32> to vector<4x64x1x64xf32>
    %jit3A_986 = arith.constant -9.99999968E+37 : f32
    %broadcast_in_dim3A_987 = vector.broadcast %jit3A_986 : f32 to vector<4x64x64xf32>
    %select_n3A_988 = arith.select %eq3A_982, %broadcast_in_dim3A_987, %select_n3A_969 : vector<4x64x64xi1>, vector<4x64x64xf32>
    %reduce_max3A_989 = arith.constant dense<0xFF800000> : vector<4x64xf32>
    %reduce_max3A_990 = vector.multi_reduction <maximumf>, %select_n3A_988, %reduce_max3A_989 [2] : vector<4x64x64xf32> to vector<4x64xf32>
    %broadcast_in_dim3A_991 = vector.shape_cast %reduce_max3A_990 : vector<4x64xf32> to vector<4x64x1xf32>
    %eq3A_992 = vector.broadcast %broadcast_in_dim3A_991 : vector<4x64x1xf32> to vector<4x64x64xf32>
    %eq3A_993 = arith.cmpf oeq, %select_n3A_988, %eq3A_992 : vector<4x64x64xf32>
    %jit3A_994 = arith.constant 64 : i32
    %broadcast_in_dim3A_995 = vector.broadcast %jit3A_994 : i32 to vector<4x64x64xi32>
    %select_n3A_996 = arith.select %eq3A_993, %iota3A_704, %broadcast_in_dim3A_995 : vector<4x64x64xi1>, vector<4x64x64xi32>
    %reduce_min3A_997 = arith.constant dense<2147483647> : vector<4x64xi32>
    %reduce_min3A_998 = vector.multi_reduction <minsi>, %select_n3A_996, %reduce_min3A_997 [2] : vector<4x64x64xi32> to vector<4x64xi32>
    %broadcast_in_dim3A_999 = vector.shape_cast %reduce_min3A_998 : vector<4x64xi32> to vector<4x64x1xi32>
    %eq3A_1000 = vector.broadcast %broadcast_in_dim3A_999 : vector<4x64x1xi32> to vector<4x64x64xi32>
    %eq3A_1001 = arith.cmpi eq, %iota3A_704, %eq3A_1000 : vector<4x64x64xi32>
    %convert_element_type3A_1002 = arith.extui %eq3A_1001 : vector<4x64x64xi1> to vector<4x64x64xi32>
    %convert_element_type3A_1003 = arith.sitofp %convert_element_type3A_1002 : vector<4x64x64xi32> to vector<4x64x64xf32>
    %broadcast_in_dim3A_1004 = vector.shape_cast %convert_element_type3A_1003 : vector<4x64x64xf32> to vector<4x64x1x64xf32>
    %concatenate3A_1005 = tpu.concatenate %broadcast_in_dim3A_709, %broadcast_in_dim3A_725, %broadcast_in_dim3A_744, %broadcast_in_dim3A_763, %broadcast_in_dim3A_782, %broadcast_in_dim3A_801, %broadcast_in_dim3A_820, %broadcast_in_dim3A_839, %broadcast_in_dim3A_858, %broadcast_in_dim3A_877, %broadcast_in_dim3A_896, %broadcast_in_dim3A_915, %broadcast_in_dim3A_934, %broadcast_in_dim3A_953, %broadcast_in_dim3A_972, %broadcast_in_dim3A_991 in 2 : vector<4x64x1xf32>, vector<4x64x1xf32>, vector<4x64x1xf32>, vector<4x64x1xf32>, vector<4x64x1xf32>, vector<4x64x1xf32>, vector<4x64x1xf32>, vector<4x64x1xf32>, vector<4x64x1xf32>, vector<4x64x1xf32>, vector<4x64x1xf32>, vector<4x64x1xf32>, vector<4x64x1xf32>, vector<4x64x1xf32>, vector<4x64x1xf32>, vector<4x64x1xf32> -> vector<4x64x16xf32>
    %reduce_max3A_1006 = arith.constant dense<0xFF800000> : vector<4x64xf32>
    %reduce_max3A_1007 = vector.multi_reduction <maximumf>, %concatenate3A_1005, %reduce_max3A_1006 [2] : vector<4x64x16xf32> to vector<4x64xf32>
    %broadcast_in_dim3A_1008 = vector.shape_cast %reduce_max3A_1007 : vector<4x64xf32> to vector<4x64x1xf32>
    %sub3A_1009 = vector.broadcast %broadcast_in_dim3A_1008 : vector<4x64x1xf32> to vector<4x64x16xf32>
    %sub3A_1010 = arith.subf %concatenate3A_1005, %sub3A_1009 : vector<4x64x16xf32>
    %exp3A_1011 = math.exp %sub3A_1010 : vector<4x64x16xf32>
    %reduce_sum3A = arith.constant dense<0.000000e+00> : vector<4x64xf32>
    %reduce_sum3A_1012 = vector.multi_reduction <add>, %exp3A_1011, %reduce_sum3A [2] : vector<4x64x16xf32> to vector<4x64xf32>
    %broadcast_in_dim3A_1013 = vector.shape_cast %reduce_sum3A_1012 : vector<4x64xf32> to vector<4x64x1xf32>
    %div3A_1014 = vector.broadcast %broadcast_in_dim3A_1013 : vector<4x64x1xf32> to vector<4x64x16xf32>
    %div3A_1015 = arith.divf %exp3A_1011, %div3A_1014 : vector<4x64x16xf32>
    %concatenate3A_1016 = tpu.concatenate %broadcast_in_dim3A_719, %broadcast_in_dim3A_738, %broadcast_in_dim3A_757, %broadcast_in_dim3A_776, %broadcast_in_dim3A_795, %broadcast_in_dim3A_814, %broadcast_in_dim3A_833, %broadcast_in_dim3A_852, %broadcast_in_dim3A_871, %broadcast_in_dim3A_890, %broadcast_in_dim3A_909, %broadcast_in_dim3A_928, %broadcast_in_dim3A_947, %broadcast_in_dim3A_966, %broadcast_in_dim3A_985, %broadcast_in_dim3A_1004 in 2 : vector<4x64x1x64xf32>, vector<4x64x1x64xf32>, vector<4x64x1x64xf32>, vector<4x64x1x64xf32>, vector<4x64x1x64xf32>, vector<4x64x1x64xf32>, vector<4x64x1x64xf32>, vector<4x64x1x64xf32>, vector<4x64x1x64xf32>, vector<4x64x1x64xf32>, vector<4x64x1x64xf32>, vector<4x64x1x64xf32>, vector<4x64x1x64xf32>, vector<4x64x1x64xf32>, vector<4x64x1x64xf32>, vector<4x64x1x64xf32> -> vector<4x64x16x64xf32>
    %reshape3A_1017 = vector.shape_cast %concatenate3A_1016 : vector<4x64x16x64xf32> to vector<4x1024x64xf32>
    %slice3A_1018 = vector.extract_strided_slice %reshape3A_1017 {offsets = [0, 0, 0], sizes = [1, 1024, 64], strides = [1, 1, 1]} : vector<4x1024x64xf32> to vector<1x1024x64xf32>
    %squeeze3A_1019 = vector.shape_cast %slice3A_1018 : vector<1x1024x64xf32> to vector<1024x64xf32>
    %slice3A_1020 = vector.extract_strided_slice %reshape3A_634 {offsets = [0, 0, 0], sizes = [1, 64, 128], strides = [1, 1, 1]} : vector<4x64x128xf32> to vector<1x64x128xf32>
    %squeeze3A_1021 = vector.shape_cast %slice3A_1020 : vector<1x64x128xf32> to vector<64x128xf32>
    %dot_general3A_1022 = arith.constant dense<0.000000e+00> : vector<1024x128xf32>
    %dot_general3A_1023 = tpu.matmul %squeeze3A_1019, %squeeze3A_1021, %dot_general3A_1022 {dimension_numbers = #tpu.dot_dimension_numbers<[1], [0], [0], [1], [0, 0, 1, 1], [], []>, precision = #tpu.contract_precision<fp32>, transpose_lhs_hint = false} : vector<1024x64xf32>, vector<64x128xf32>, vector<1024x128xf32> -> vector<1024x128xf32>
    %slice3A_1024 = vector.extract_strided_slice %reshape3A_1017 {offsets = [1, 0, 0], sizes = [1, 1024, 64], strides = [1, 1, 1]} : vector<4x1024x64xf32> to vector<1x1024x64xf32>
    %squeeze3A_1025 = vector.shape_cast %slice3A_1024 : vector<1x1024x64xf32> to vector<1024x64xf32>
    %slice3A_1026 = vector.extract_strided_slice %reshape3A_634 {offsets = [1, 0, 0], sizes = [1, 64, 128], strides = [1, 1, 1]} : vector<4x64x128xf32> to vector<1x64x128xf32>
    %squeeze3A_1027 = vector.shape_cast %slice3A_1026 : vector<1x64x128xf32> to vector<64x128xf32>
    %dot_general3A_1028 = arith.constant dense<0.000000e+00> : vector<1024x128xf32>
    %dot_general3A_1029 = tpu.matmul %squeeze3A_1025, %squeeze3A_1027, %dot_general3A_1028 {dimension_numbers = #tpu.dot_dimension_numbers<[1], [0], [0], [1], [0, 0, 1, 1], [], []>, precision = #tpu.contract_precision<fp32>, transpose_lhs_hint = false} : vector<1024x64xf32>, vector<64x128xf32>, vector<1024x128xf32> -> vector<1024x128xf32>
    %slice3A_1030 = vector.extract_strided_slice %reshape3A_1017 {offsets = [2, 0, 0], sizes = [1, 1024, 64], strides = [1, 1, 1]} : vector<4x1024x64xf32> to vector<1x1024x64xf32>
    %squeeze3A_1031 = vector.shape_cast %slice3A_1030 : vector<1x1024x64xf32> to vector<1024x64xf32>
    %slice3A_1032 = vector.extract_strided_slice %reshape3A_634 {offsets = [2, 0, 0], sizes = [1, 64, 128], strides = [1, 1, 1]} : vector<4x64x128xf32> to vector<1x64x128xf32>
    %squeeze3A_1033 = vector.shape_cast %slice3A_1032 : vector<1x64x128xf32> to vector<64x128xf32>
    %dot_general3A_1034 = arith.constant dense<0.000000e+00> : vector<1024x128xf32>
    %dot_general3A_1035 = tpu.matmul %squeeze3A_1031, %squeeze3A_1033, %dot_general3A_1034 {dimension_numbers = #tpu.dot_dimension_numbers<[1], [0], [0], [1], [0, 0, 1, 1], [], []>, precision = #tpu.contract_precision<fp32>, transpose_lhs_hint = false} : vector<1024x64xf32>, vector<64x128xf32>, vector<1024x128xf32> -> vector<1024x128xf32>
    %slice3A_1036 = vector.extract_strided_slice %reshape3A_1017 {offsets = [3, 0, 0], sizes = [1, 1024, 64], strides = [1, 1, 1]} : vector<4x1024x64xf32> to vector<1x1024x64xf32>
    %squeeze3A_1037 = vector.shape_cast %slice3A_1036 : vector<1x1024x64xf32> to vector<1024x64xf32>
    %slice3A_1038 = vector.extract_strided_slice %reshape3A_634 {offsets = [3, 0, 0], sizes = [1, 64, 128], strides = [1, 1, 1]} : vector<4x64x128xf32> to vector<1x64x128xf32>
    %squeeze3A_1039 = vector.shape_cast %slice3A_1038 : vector<1x64x128xf32> to vector<64x128xf32>
    %dot_general3A_1040 = arith.constant dense<0.000000e+00> : vector<1024x128xf32>
    %dot_general3A_1041 = tpu.matmul %squeeze3A_1037, %squeeze3A_1039, %dot_general3A_1040 {dimension_numbers = #tpu.dot_dimension_numbers<[1], [0], [0], [1], [0, 0, 1, 1], [], []>, precision = #tpu.contract_precision<fp32>, transpose_lhs_hint = false} : vector<1024x64xf32>, vector<64x128xf32>, vector<1024x128xf32> -> vector<1024x128xf32>
    %stack3A_1042 = vector.shape_cast %dot_general3A_1023 : vector<1024x128xf32> to vector<1x1024x128xf32>
    %stack3A_1043 = vector.shape_cast %dot_general3A_1029 : vector<1024x128xf32> to vector<1x1024x128xf32>
    %stack3A_1044 = vector.shape_cast %dot_general3A_1035 : vector<1024x128xf32> to vector<1x1024x128xf32>
    %stack3A_1045 = vector.shape_cast %dot_general3A_1041 : vector<1024x128xf32> to vector<1x1024x128xf32>
    %stack3A_1046 = tpu.concatenate %stack3A_1042, %stack3A_1043, %stack3A_1044, %stack3A_1045 in 0 : vector<1x1024x128xf32>, vector<1x1024x128xf32>, vector<1x1024x128xf32>, vector<1x1024x128xf32> -> vector<4x1024x128xf32>
    %reshape3A_1047 = vector.shape_cast %stack3A_1046 : vector<4x1024x128xf32> to vector<4x64x16x128xf32>
    %slice3A_1048 = vector.extract_strided_slice %reshape3A_1017 {offsets = [0, 0, 0], sizes = [1, 1024, 64], strides = [1, 1, 1]} : vector<4x1024x64xf32> to vector<1x1024x64xf32>
    %squeeze3A_1049 = vector.shape_cast %slice3A_1048 : vector<1x1024x64xf32> to vector<1024x64xf32>
    %slice3A_1050 = vector.extract_strided_slice %get3A_6 {offsets = [0, 0, 0], sizes = [1, 64, 3], strides = [1, 1, 1]} : vector<4x64x3xf32> to vector<1x64x3xf32>
    %squeeze3A_1051 = vector.shape_cast %slice3A_1050 : vector<1x64x3xf32> to vector<64x3xf32>
    %dot_general3A_1052 = arith.constant dense<0.000000e+00> : vector<1024x3xf32>
    %dot_general3A_1053 = tpu.matmul %squeeze3A_1049, %squeeze3A_1051, %dot_general3A_1052 {dimension_numbers = #tpu.dot_dimension_numbers<[1], [0], [0], [1], [0, 0, 1, 1], [], []>, precision = #tpu.contract_precision<fp32>, transpose_lhs_hint = false} : vector<1024x64xf32>, vector<64x3xf32>, vector<1024x3xf32> -> vector<1024x3xf32>
    %slice3A_1054 = vector.extract_strided_slice %reshape3A_1017 {offsets = [1, 0, 0], sizes = [1, 1024, 64], strides = [1, 1, 1]} : vector<4x1024x64xf32> to vector<1x1024x64xf32>
    %squeeze3A_1055 = vector.shape_cast %slice3A_1054 : vector<1x1024x64xf32> to vector<1024x64xf32>
    %slice3A_1056 = vector.extract_strided_slice %get3A_6 {offsets = [1, 0, 0], sizes = [1, 64, 3], strides = [1, 1, 1]} : vector<4x64x3xf32> to vector<1x64x3xf32>
    %squeeze3A_1057 = vector.shape_cast %slice3A_1056 : vector<1x64x3xf32> to vector<64x3xf32>
    %dot_general3A_1058 = arith.constant dense<0.000000e+00> : vector<1024x3xf32>
    %dot_general3A_1059 = tpu.matmul %squeeze3A_1055, %squeeze3A_1057, %dot_general3A_1058 {dimension_numbers = #tpu.dot_dimension_numbers<[1], [0], [0], [1], [0, 0, 1, 1], [], []>, precision = #tpu.contract_precision<fp32>, transpose_lhs_hint = false} : vector<1024x64xf32>, vector<64x3xf32>, vector<1024x3xf32> -> vector<1024x3xf32>
    %slice3A_1060 = vector.extract_strided_slice %reshape3A_1017 {offsets = [2, 0, 0], sizes = [1, 1024, 64], strides = [1, 1, 1]} : vector<4x1024x64xf32> to vector<1x1024x64xf32>
    %squeeze3A_1061 = vector.shape_cast %slice3A_1060 : vector<1x1024x64xf32> to vector<1024x64xf32>
    %slice3A_1062 = vector.extract_strided_slice %get3A_6 {offsets = [2, 0, 0], sizes = [1, 64, 3], strides = [1, 1, 1]} : vector<4x64x3xf32> to vector<1x64x3xf32>
    %squeeze3A_1063 = vector.shape_cast %slice3A_1062 : vector<1x64x3xf32> to vector<64x3xf32>
    %dot_general3A_1064 = arith.constant dense<0.000000e+00> : vector<1024x3xf32>
    %dot_general3A_1065 = tpu.matmul %squeeze3A_1061, %squeeze3A_1063, %dot_general3A_1064 {dimension_numbers = #tpu.dot_dimension_numbers<[1], [0], [0], [1], [0, 0, 1, 1], [], []>, precision = #tpu.contract_precision<fp32>, transpose_lhs_hint = false} : vector<1024x64xf32>, vector<64x3xf32>, vector<1024x3xf32> -> vector<1024x3xf32>
    %slice3A_1066 = vector.extract_strided_slice %reshape3A_1017 {offsets = [3, 0, 0], sizes = [1, 1024, 64], strides = [1, 1, 1]} : vector<4x1024x64xf32> to vector<1x1024x64xf32>
    %squeeze3A_1067 = vector.shape_cast %slice3A_1066 : vector<1x1024x64xf32> to vector<1024x64xf32>
    %slice3A_1068 = vector.extract_strided_slice %get3A_6 {offsets = [3, 0, 0], sizes = [1, 64, 3], strides = [1, 1, 1]} : vector<4x64x3xf32> to vector<1x64x3xf32>
    %squeeze3A_1069 = vector.shape_cast %slice3A_1068 : vector<1x64x3xf32> to vector<64x3xf32>
    %dot_general3A_1070 = arith.constant dense<0.000000e+00> : vector<1024x3xf32>
    %dot_general3A_1071 = tpu.matmul %squeeze3A_1067, %squeeze3A_1069, %dot_general3A_1070 {dimension_numbers = #tpu.dot_dimension_numbers<[1], [0], [0], [1], [0, 0, 1, 1], [], []>, precision = #tpu.contract_precision<fp32>, transpose_lhs_hint = false} : vector<1024x64xf32>, vector<64x3xf32>, vector<1024x3xf32> -> vector<1024x3xf32>
    %stack3A_1072 = vector.shape_cast %dot_general3A_1053 : vector<1024x3xf32> to vector<1x1024x3xf32>
    %stack3A_1073 = vector.shape_cast %dot_general3A_1059 : vector<1024x3xf32> to vector<1x1024x3xf32>
    %stack3A_1074 = vector.shape_cast %dot_general3A_1065 : vector<1024x3xf32> to vector<1x1024x3xf32>
    %stack3A_1075 = vector.shape_cast %dot_general3A_1071 : vector<1024x3xf32> to vector<1x1024x3xf32>
    %stack3A_1076 = tpu.concatenate %stack3A_1072, %stack3A_1073, %stack3A_1074, %stack3A_1075 in 0 : vector<1x1024x3xf32>, vector<1x1024x3xf32>, vector<1x1024x3xf32>, vector<1x1024x3xf32> -> vector<4x1024x3xf32>
    %reshape3A_1077 = vector.shape_cast %stack3A_1076 : vector<4x1024x3xf32> to vector<4x64x16x3xf32>
    %slice3A_1078 = vector.extract_strided_slice %get3A_6 {offsets = [0, 0, 0], sizes = [4, 64, 1], strides = [1, 1, 1]} : vector<4x64x3xf32> to vector<4x64x1xf32>
    %broadcast_in_dim3A_1079 = vector.shape_cast %slice3A_1078 : vector<4x64x1xf32> to vector<4x64x1x1xf32>
    %slice3A_1080 = vector.extract_strided_slice %reshape3A_1077 {offsets = [0, 0, 0, 0], sizes = [4, 64, 16, 1], strides = [1, 1, 1, 1]} : vector<4x64x16x3xf32> to vector<4x64x16x1xf32>
    %sub3A_1081 = vector.broadcast %broadcast_in_dim3A_1079 : vector<4x64x1x1xf32> to vector<4x64x16x1xf32>
    %sub3A_1082 = arith.subf %sub3A_1081, %slice3A_1080 : vector<4x64x16x1xf32>
    %slice3A_1083 = vector.extract_strided_slice %get3A_6 {offsets = [0, 0, 1], sizes = [4, 64, 1], strides = [1, 1, 1]} : vector<4x64x3xf32> to vector<4x64x1xf32>
    %broadcast_in_dim3A_1084 = vector.shape_cast %slice3A_1083 : vector<4x64x1xf32> to vector<4x64x1x1xf32>
    %slice3A_1085 = vector.extract_strided_slice %reshape3A_1077 {offsets = [0, 0, 0, 1], sizes = [4, 64, 16, 1], strides = [1, 1, 1, 1]} : vector<4x64x16x3xf32> to vector<4x64x16x1xf32>
    %sub3A_1086 = vector.broadcast %broadcast_in_dim3A_1084 : vector<4x64x1x1xf32> to vector<4x64x16x1xf32>
    %sub3A_1087 = arith.subf %sub3A_1086, %slice3A_1085 : vector<4x64x16x1xf32>
    %slice3A_1088 = vector.extract_strided_slice %get3A_6 {offsets = [0, 0, 2], sizes = [4, 64, 1], strides = [1, 1, 1]} : vector<4x64x3xf32> to vector<4x64x1xf32>
    %broadcast_in_dim3A_1089 = vector.shape_cast %slice3A_1088 : vector<4x64x1xf32> to vector<4x64x1x1xf32>
    %slice3A_1090 = vector.extract_strided_slice %reshape3A_1077 {offsets = [0, 0, 0, 2], sizes = [4, 64, 16, 1], strides = [1, 1, 1, 1]} : vector<4x64x16x3xf32> to vector<4x64x16x1xf32>
    %sub3A_1091 = vector.broadcast %broadcast_in_dim3A_1089 : vector<4x64x1x1xf32> to vector<4x64x16x1xf32>
    %sub3A_1092 = arith.subf %sub3A_1091, %slice3A_1090 : vector<4x64x16x1xf32>
    %mul3A_1093 = arith.mulf %sub3A_1082, %sub3A_1082 : vector<4x64x16x1xf32>
    %mul3A_1094 = arith.mulf %sub3A_1092, %sub3A_1092 : vector<4x64x16x1xf32>
    %add3A_1095 = arith.addf %mul3A_1093, %mul3A_1094 : vector<4x64x16x1xf32>
    %mul3A_1096 = arith.mulf %sub3A_1087, %sub3A_1087 : vector<4x64x16x1xf32>
    %add3A_1097 = arith.addf %add3A_1095, %mul3A_1096 : vector<4x64x16x1xf32>
    %add3A_1098 = arith.constant 9.99999996E-13 : f32
    %add3A_1099 = vector.broadcast %add3A_1098 : f32 to vector<4x64x16x1xf32>
    %add3A_1100 = arith.addf %add3A_1097, %add3A_1099 : vector<4x64x16x1xf32>
    %sqrt3A_1101 = math.sqrt %add3A_1100 : vector<4x64x16x1xf32>
    %add3A_1102 = arith.constant 9.99999971E-10 : f32
    %add3A_1103 = vector.broadcast %add3A_1102 : f32 to vector<4x64x16x1xf32>
    %add3A_1104 = arith.addf %sqrt3A_1101, %add3A_1103 : vector<4x64x16x1xf32>
    %broadcast_in_dim3A_1105 = vector.shape_cast %reshape3A_634 : vector<4x64x128xf32> to vector<4x64x1x128xf32>
    %add3A_1106 = vector.broadcast %broadcast_in_dim3A_1105 : vector<4x64x1x128xf32> to vector<4x64x16x128xf32>
    %add3A_1107 = arith.addf %add3A_1106, %reshape3A_1047 : vector<4x64x16x128xf32>
    %reshape3A_1108 = vector.shape_cast %add3A_1107 : vector<4x64x16x128xf32> to vector<4096x128xf32>
    %get3A_1109 = arith.constant 0 : index
    %get3A_1110 = arith.constant 0 : index
    %get3A_1111 = vector.load %arg15[%get3A_1109, %get3A_1110] : memref<128x128xf32, #tpu.memory_space<vmem>>, vector<128x128xf32>
    %dot_general3A_1112 = arith.constant dense<0.000000e+00> : vector<4096x128xf32>
    %dot_general3A_1113 = tpu.matmul %reshape3A_1108, %get3A_1111, %dot_general3A_1112 {dimension_numbers = #tpu.dot_dimension_numbers<[1], [0], [0], [1], [0, 0, 1, 1], [], []>, transpose_lhs_hint = false} : vector<4096x128xf32>, vector<128x128xf32>, vector<4096x128xf32> -> vector<4096x128xf32>
    %get3A_1114 = arith.constant 0 : index
    %get3A_1115 = arith.constant 0 : index
    %get3A_1116 = vector.load %arg16[%get3A_1114, %get3A_1115] : memref<1x128xf32, #tpu.memory_space<vmem>>, vector<1x128xf32>
    %add3A_1117 = vector.broadcast %get3A_1116 : vector<1x128xf32> to vector<4096x128xf32>
    %add3A_1118 = arith.addf %dot_general3A_1113, %add3A_1117 : vector<4096x128xf32>
    %tanh3A_1119 = math.tanh %add3A_1118 : vector<4096x128xf32>
    %get3A_1120 = arith.constant 0 : index
    %get3A_1121 = arith.constant 0 : index
    %get3A_1122 = vector.load %arg17[%get3A_1120, %get3A_1121] : memref<128x32xf32, #tpu.memory_space<vmem>>, vector<128x32xf32>
    %dot_general3A_1123 = arith.constant dense<0.000000e+00> : vector<4096x32xf32>
    %dot_general3A_1124 = tpu.matmul %tanh3A_1119, %get3A_1122, %dot_general3A_1123 {dimension_numbers = #tpu.dot_dimension_numbers<[1], [0], [0], [1], [0, 0, 1, 1], [], []>, transpose_lhs_hint = false} : vector<4096x128xf32>, vector<128x32xf32>, vector<4096x32xf32> -> vector<4096x32xf32>
    %get3A_1125 = arith.constant 0 : index
    %get3A_1126 = arith.constant 0 : index
    %get3A_1127 = vector.load %arg18[%get3A_1125, %get3A_1126] : memref<1x32xf32, #tpu.memory_space<vmem>>, vector<1x32xf32>
    %add3A_1128 = vector.broadcast %get3A_1127 : vector<1x32xf32> to vector<4096x32xf32>
    %add3A_1129 = arith.addf %dot_general3A_1124, %add3A_1128 : vector<4096x32xf32>
    %reshape3A_1130 = vector.shape_cast %add3A_1129 : vector<4096x32xf32> to vector<4x64x16x32xf32>
    %slice3A_1131 = vector.extract_strided_slice %div3A_1015 {offsets = [0, 0, 0], sizes = [4, 64, 1], strides = [1, 1, 1]} : vector<4x64x16xf32> to vector<4x64x1xf32>
    %broadcast_in_dim3A_1132 = vector.shape_cast %slice3A_1131 : vector<4x64x1xf32> to vector<4x64x1x1xf32>
    %slice3A_1133 = vector.extract_strided_slice %div3A_1015 {offsets = [0, 0, 1], sizes = [4, 64, 1], strides = [1, 1, 1]} : vector<4x64x16xf32> to vector<4x64x1xf32>
    %broadcast_in_dim3A_1134 = vector.shape_cast %slice3A_1133 : vector<4x64x1xf32> to vector<4x64x1x1xf32>
    %slice3A_1135 = vector.extract_strided_slice %div3A_1015 {offsets = [0, 0, 2], sizes = [4, 64, 1], strides = [1, 1, 1]} : vector<4x64x16xf32> to vector<4x64x1xf32>
    %broadcast_in_dim3A_1136 = vector.shape_cast %slice3A_1135 : vector<4x64x1xf32> to vector<4x64x1x1xf32>
    %slice3A_1137 = vector.extract_strided_slice %div3A_1015 {offsets = [0, 0, 3], sizes = [4, 64, 1], strides = [1, 1, 1]} : vector<4x64x16xf32> to vector<4x64x1xf32>
    %broadcast_in_dim3A_1138 = vector.shape_cast %slice3A_1137 : vector<4x64x1xf32> to vector<4x64x1x1xf32>
    %slice3A_1139 = vector.extract_strided_slice %div3A_1015 {offsets = [0, 0, 4], sizes = [4, 64, 1], strides = [1, 1, 1]} : vector<4x64x16xf32> to vector<4x64x1xf32>
    %broadcast_in_dim3A_1140 = vector.shape_cast %slice3A_1139 : vector<4x64x1xf32> to vector<4x64x1x1xf32>
    %slice3A_1141 = vector.extract_strided_slice %div3A_1015 {offsets = [0, 0, 5], sizes = [4, 64, 1], strides = [1, 1, 1]} : vector<4x64x16xf32> to vector<4x64x1xf32>
    %broadcast_in_dim3A_1142 = vector.shape_cast %slice3A_1141 : vector<4x64x1xf32> to vector<4x64x1x1xf32>
    %slice3A_1143 = vector.extract_strided_slice %div3A_1015 {offsets = [0, 0, 6], sizes = [4, 64, 1], strides = [1, 1, 1]} : vector<4x64x16xf32> to vector<4x64x1xf32>
    %broadcast_in_dim3A_1144 = vector.shape_cast %slice3A_1143 : vector<4x64x1xf32> to vector<4x64x1x1xf32>
    %slice3A_1145 = vector.extract_strided_slice %div3A_1015 {offsets = [0, 0, 7], sizes = [4, 64, 1], strides = [1, 1, 1]} : vector<4x64x16xf32> to vector<4x64x1xf32>
    %broadcast_in_dim3A_1146 = vector.shape_cast %slice3A_1145 : vector<4x64x1xf32> to vector<4x64x1x1xf32>
    %slice3A_1147 = vector.extract_strided_slice %div3A_1015 {offsets = [0, 0, 8], sizes = [4, 64, 1], strides = [1, 1, 1]} : vector<4x64x16xf32> to vector<4x64x1xf32>
    %broadcast_in_dim3A_1148 = vector.shape_cast %slice3A_1147 : vector<4x64x1xf32> to vector<4x64x1x1xf32>
    %slice3A_1149 = vector.extract_strided_slice %div3A_1015 {offsets = [0, 0, 9], sizes = [4, 64, 1], strides = [1, 1, 1]} : vector<4x64x16xf32> to vector<4x64x1xf32>
    %broadcast_in_dim3A_1150 = vector.shape_cast %slice3A_1149 : vector<4x64x1xf32> to vector<4x64x1x1xf32>
    %slice3A_1151 = vector.extract_strided_slice %div3A_1015 {offsets = [0, 0, 10], sizes = [4, 64, 1], strides = [1, 1, 1]} : vector<4x64x16xf32> to vector<4x64x1xf32>
    %broadcast_in_dim3A_1152 = vector.shape_cast %slice3A_1151 : vector<4x64x1xf32> to vector<4x64x1x1xf32>
    %slice3A_1153 = vector.extract_strided_slice %div3A_1015 {offsets = [0, 0, 11], sizes = [4, 64, 1], strides = [1, 1, 1]} : vector<4x64x16xf32> to vector<4x64x1xf32>
    %broadcast_in_dim3A_1154 = vector.shape_cast %slice3A_1153 : vector<4x64x1xf32> to vector<4x64x1x1xf32>
    %slice3A_1155 = vector.extract_strided_slice %div3A_1015 {offsets = [0, 0, 12], sizes = [4, 64, 1], strides = [1, 1, 1]} : vector<4x64x16xf32> to vector<4x64x1xf32>
    %broadcast_in_dim3A_1156 = vector.shape_cast %slice3A_1155 : vector<4x64x1xf32> to vector<4x64x1x1xf32>
    %slice3A_1157 = vector.extract_strided_slice %div3A_1015 {offsets = [0, 0, 13], sizes = [4, 64, 1], strides = [1, 1, 1]} : vector<4x64x16xf32> to vector<4x64x1xf32>
    %broadcast_in_dim3A_1158 = vector.shape_cast %slice3A_1157 : vector<4x64x1xf32> to vector<4x64x1x1xf32>
    %slice3A_1159 = vector.extract_strided_slice %div3A_1015 {offsets = [0, 0, 14], sizes = [4, 64, 1], strides = [1, 1, 1]} : vector<4x64x16xf32> to vector<4x64x1xf32>
    %broadcast_in_dim3A_1160 = vector.shape_cast %slice3A_1159 : vector<4x64x1xf32> to vector<4x64x1x1xf32>
    %slice3A_1161 = vector.extract_strided_slice %div3A_1015 {offsets = [0, 0, 15], sizes = [4, 64, 1], strides = [1, 1, 1]} : vector<4x64x16xf32> to vector<4x64x1xf32>
    %broadcast_in_dim3A_1162 = vector.shape_cast %slice3A_1161 : vector<4x64x1xf32> to vector<4x64x1x1xf32>
    %concatenate3A_1163 = tpu.concatenate %broadcast_in_dim3A_1132, %broadcast_in_dim3A_1134, %broadcast_in_dim3A_1136, %broadcast_in_dim3A_1138, %broadcast_in_dim3A_1140, %broadcast_in_dim3A_1142, %broadcast_in_dim3A_1144, %broadcast_in_dim3A_1146, %broadcast_in_dim3A_1148, %broadcast_in_dim3A_1150, %broadcast_in_dim3A_1152, %broadcast_in_dim3A_1154, %broadcast_in_dim3A_1156, %broadcast_in_dim3A_1158, %broadcast_in_dim3A_1160, %broadcast_in_dim3A_1162 in 2 : vector<4x64x1x1xf32>, vector<4x64x1x1xf32>, vector<4x64x1x1xf32>, vector<4x64x1x1xf32>, vector<4x64x1x1xf32>, vector<4x64x1x1xf32>, vector<4x64x1x1xf32>, vector<4x64x1x1xf32>, vector<4x64x1x1xf32>, vector<4x64x1x1xf32>, vector<4x64x1x1xf32>, vector<4x64x1x1xf32>, vector<4x64x1x1xf32>, vector<4x64x1x1xf32>, vector<4x64x1x1xf32>, vector<4x64x1x1xf32> -> vector<4x64x16x1xf32>
    %mul3A_1164 = vector.broadcast %concatenate3A_1163 : vector<4x64x16x1xf32> to vector<4x64x16x32xf32>
    %mul3A_1165 = arith.mulf %reshape3A_1130, %mul3A_1164 : vector<4x64x16x32xf32>
    %div3A_1166 = arith.divf %sub3A_1082, %add3A_1104 : vector<4x64x16x1xf32>
    %mul3A_1167 = vector.broadcast %div3A_1166 : vector<4x64x16x1xf32> to vector<4x64x16x32xf32>
    %mul3A_1168 = arith.mulf %mul3A_1167, %mul3A_1165 : vector<4x64x16x32xf32>
    %div3A_1169 = arith.divf %sub3A_1087, %add3A_1104 : vector<4x64x16x1xf32>
    %mul3A_1170 = vector.broadcast %div3A_1169 : vector<4x64x16x1xf32> to vector<4x64x16x32xf32>
    %mul3A_1171 = arith.mulf %mul3A_1170, %mul3A_1165 : vector<4x64x16x32xf32>
    %div3A_1172 = arith.divf %sub3A_1092, %add3A_1104 : vector<4x64x16x1xf32>
    %mul3A_1173 = vector.broadcast %div3A_1172 : vector<4x64x16x1xf32> to vector<4x64x16x32xf32>
    %mul3A_1174 = arith.mulf %mul3A_1173, %mul3A_1165 : vector<4x64x16x32xf32>
    %concatenate3A_1175 = tpu.concatenate %mul3A_1168, %mul3A_1171, %mul3A_1174 in 3 : vector<4x64x16x32xf32>, vector<4x64x16x32xf32>, vector<4x64x16x32xf32> -> vector<4x64x16x96xf32>
    %swap3A_1176 = arith.constant 0 : index
    %swap3A_1177 = arith.constant 0 : index
    %swap3A_1178 = arith.constant 0 : index
    %swap3A_1179 = arith.constant 0 : index
    %swap3A_1180 = vector.load %arg20[%swap3A_1176, %swap3A_1177, %swap3A_1178, %swap3A_1179] : memref<4x64x16x96xf32, #tpu.memory_space<vmem>>, vector<4x64x16x96xf32>
    tpu.vector_store %arg20[%swap3A_1176, %swap3A_1177, %swap3A_1178, %swap3A_1179], %concatenate3A_1175 {strides = array<i32>} : memref<4x64x16x96xf32, #tpu.memory_space<vmem>>, vector<4x64x16x96xf32>,
    return
  }
  func.func @transform_0(%arg0: i32) -> (i32, i32, i32) {
    %c0_i32 = arith.constant 0 : i32
    %c0_i32_0 = arith.constant 0 : i32
    %c0_i32_1 = arith.constant 0 : i32
    return %arg0, %c0_i32, %c0_i32_0 : i32, i32, i32
  }
  func.func @transform_1(%arg0: i32) -> (i32, i32, i32) {
    %c0_i32 = arith.constant 0 : i32
    %c0_i32_0 = arith.constant 0 : i32
    %c0_i32_1 = arith.constant 0 : i32
    return %arg0, %c0_i32, %c0_i32_0 : i32, i32, i32
  }
  func.func @transform_2(%arg0: i32) -> (i32, i32, i32) {
    %c0_i32 = arith.constant 0 : i32
    %c0_i32_0 = arith.constant 0 : i32
    %c0_i32_1 = arith.constant 0 : i32
    return %arg0, %c0_i32, %c0_i32_0 : i32, i32, i32
  }
  func.func @transform_3(%arg0: i32) -> (i32, i32) {
    %c0_i32 = arith.constant 0 : i32
    %c0_i32_0 = arith.constant 0 : i32
    %c0_i32_1 = arith.constant 0 : i32
    return %c0_i32, %c0_i32_0 : i32, i32
  }
  func.func @transform_4(%arg0: i32) -> (i32, i32) {
    %c0_i32 = arith.constant 0 : i32
    %c0_i32_0 = arith.constant 0 : i32
    %c0_i32_1 = arith.constant 0 : i32
    return %c0_i32, %c0_i32_0 : i32, i32
  }
  func.func @transform_5(%arg0: i32) -> (i32, i32) {
    %c0_i32 = arith.constant 0 : i32
    %c0_i32_0 = arith.constant 0 : i32
    %c0_i32_1 = arith.constant 0 : i32
    return %c0_i32, %c0_i32_0 : i32, i32
  }
  func.func @transform_6(%arg0: i32) -> (i32, i32) {
    %c0_i32 = arith.constant 0 : i32
    %c0_i32_0 = arith.constant 0 : i32
    %c0_i32_1 = arith.constant 0 : i32
    return %c0_i32, %c0_i32_0 : i32, i32
  }
  func.func @transform_7(%arg0: i32) -> (i32, i32) {
    %c0_i32 = arith.constant 0 : i32
    %c0_i32_0 = arith.constant 0 : i32
    %c0_i32_1 = arith.constant 0 : i32
    return %c0_i32, %c0_i32_0 : i32, i32
  }
  func.func @transform_8(%arg0: i32) -> (i32, i32) {
    %c0_i32 = arith.constant 0 : i32
    %c0_i32_0 = arith.constant 0 : i32
    %c0_i32_1 = arith.constant 0 : i32
    return %c0_i32, %c0_i32_0 : i32, i32
  }
  func.func @transform_9(%arg0: i32) -> (i32, i32) {
    %c0_i32 = arith.constant 0 : i32
    %c0_i32_0 = arith.constant 0 : i32
    %c0_i32_1 = arith.constant 0 : i32
    return %c0_i32, %c0_i32_0 : i32, i32
  }
  func.func @transform_10(%arg0: i32) -> (i32, i32) {
    %c0_i32 = arith.constant 0 : i32
    %c0_i32_0 = arith.constant 0 : i32
    %c0_i32_1 = arith.constant 0 : i32
    return %c0_i32, %c0_i32_0 : i32, i32
  }
  func.func @transform_11(%arg0: i32) -> (i32, i32) {
    %c0_i32 = arith.constant 0 : i32
    %c0_i32_0 = arith.constant 0 : i32
    %c0_i32_1 = arith.constant 0 : i32
    return %c0_i32, %c0_i32_0 : i32, i32
  }
  func.func @transform_12(%arg0: i32) -> (i32, i32) {
    %c0_i32 = arith.constant 0 : i32
    %c0_i32_0 = arith.constant 0 : i32
    %c0_i32_1 = arith.constant 0 : i32
    return %c0_i32, %c0_i32_0 : i32, i32
  }
  func.func @transform_13(%arg0: i32) -> (i32, i32) {
    %c0_i32 = arith.constant 0 : i32
    %c0_i32_0 = arith.constant 0 : i32
    %c0_i32_1 = arith.constant 0 : i32
    return %c0_i32, %c0_i32_0 : i32, i32
  }
  func.func @transform_14(%arg0: i32) -> (i32, i32) {
    %c0_i32 = arith.constant 0 : i32
    %c0_i32_0 = arith.constant 0 : i32
    %c0_i32_1 = arith.constant 0 : i32
    return %c0_i32, %c0_i32_0 : i32, i32
  }
  func.func @transform_15(%arg0: i32) -> (i32, i32) {
    %c0_i32 = arith.constant 0 : i32
    %c0_i32_0 = arith.constant 0 : i32
    %c0_i32_1 = arith.constant 0 : i32
    return %c0_i32, %c0_i32_0 : i32, i32
  }
  func.func @transform_16(%arg0: i32) -> (i32, i32) {
    %c0_i32 = arith.constant 0 : i32
    %c0_i32_0 = arith.constant 0 : i32
    %c0_i32_1 = arith.constant 0 : i32
    return %c0_i32, %c0_i32_0 : i32, i32
  }
  func.func @transform_17(%arg0: i32) -> (i32, i32) {
    %c0_i32 = arith.constant 0 : i32
    %c0_i32_0 = arith.constant 0 : i32
    %c0_i32_1 = arith.constant 0 : i32
    return %c0_i32, %c0_i32_0 : i32, i32
  }
  func.func @transform_18(%arg0: i32) -> (i32, i32, i32) {
    %c0_i32 = arith.constant 0 : i32
    %c0_i32_0 = arith.constant 0 : i32
    %c0_i32_1 = arith.constant 0 : i32
    return %arg0, %c0_i32, %c0_i32_0 : i32, i32, i32
  }
  func.func @transform_19(%arg0: i32) -> (i32, i32, i32, i32) {
    %c0_i32 = arith.constant 0 : i32
    %c0_i32_0 = arith.constant 0 : i32
    %c0_i32_1 = arith.constant 0 : i32
    %c0_i32_2 = arith.constant 0 : i32
    return %arg0, %c0_i32, %c0_i32_0, %c0_i32_1 : i32, i32, i32, i32
  }
}

</mosaic_0001>

<sc_bundles>
// kernel: kernel.4.cloned.1.call-start
scs
__scs_entry_jumppad:
0x0: {  	(pc) =	sbr.rel $0x88, $3  }
0x1: {  	(tag) =	ssettag $0x0;
	lr =	simm.s32 $0x1  }
0x2: {  	[smem:$0x3F8F] =	sst lr;
	_ =	strace $0xD0000000  }
0x3: {  	_ = 	snop  }
0x4: {  	_ = 	snop  }
0x5: {  	_ = 	snop  }
0x6: {  	_ = 	snop  }
0x7: {  	_ = 	snop  }
__scs_overlays_trampoline_lowered:
0x8: {  	[smem:$0x3F9E] =	sst s0  }
0x9: {  	[smem:$0x3F9F] =	sst s1  }
0xa: {  	[smem:$0x3FA0] =	sst s2  }
0xb: {  	[smem:$0x3FA1] =	sst s3  }
0xc: {  	[smem:$0x3FA2] =	sst s4  }
0xd: {  	[smem:$0x3FA3] =	sst s5  }
0xe: {  	[smem:$0x3FA4] =	sst s6  }
0xf: {  	[smem:$0x3FA5] =	sst s7  }
0x10: {  	[smem:$0x3FA6] =	sst s8  }
0x11: {  	[smem:$0x3FA7] =	sst s9;
	s0 =	simm.s32 @!p0 $0x0  }
0x12: {  	s1 =	sld [smem:$0x3F8D];
	s0 =	simm.s32 @p0 $0x1  }
0x13: {  	[smem:$0x3FA8] =	sst s0;
	s0 =	simm.s32 @!p1 $0x0  }
0x14: {  	s2 =	sld [smem:$0x3F8C];
	s0 =	simm.s32 @p1 $0x1  }
0x15: {  	[smem:$0x3FA9] =	sst s0;
	s0 =	simm.s32 @!p2 $0x0  }
0x16: {  	s3 =	sld [smem:$0x3FDB];
	s0 =	simm.s32 @p2 $0x1  }
0x17: {  	s4 =	simm.s32 $0x1BF5;
	[smem:$0x3FAB] =	sst s0  }
0x18: {  	s0 =	sld [smem:$0x3F8E];
	_ =	swait.ge [sflag:s4], $0x0  }
0x19: {  	s7 =	sld [smem:$0x3F8F]  }
0x1a: {  	s8 =	sadd.s32 $0xFFFFE003, lr  }
0x1b: {  	s9 =	sadd.s32 $0xFFFFFEF7, lr;
	s5 =	simm.s32 $0xFFFFFFFF;
	p2 =	slt.u32 s8, $0xFFFFF086  }
0x1c: {  	p1 =	slt.u32 s9, $0xF7A;
	s5 =	simm.s32 @!p2 $0x0  }
0x1d: {  	s5 =	simm.s32 @p1 $0x1;
	p0 =	seq.s32 s7, s2  }
0x1e: {  	s7 =	smul.u32 @!p0 $0xF7A, s2;
	p2 =	seq.s32 @!p0 s5, $0x0  }
0x1f: {  	s9 =	smul.u32 $0xF7A, s1;
	s8 =	simm.s32 @!p0 $0x1BF5;
	p2 =	por !p2, p0  }
0x20: {  	[sflag:s8] =	ssyncset.s32 @!p0 $0xFFFFF086;
	s6 =	sadd.s32 @!p0 s3, s7;
	s7 =	simm.s32 @!p0 $0x108  }
0x21: {  	s3 =	sadd.s32 s3, s9;
	s6 =	sadd.s32 @!p0 $0x88, s6;
	s7 =	simm.s32 @p2 $0x1082  }
0x22: {  	[simem:s7], [sflag:s8] =	dma.local @!p0 [hbm:s6], $0xF7A  }
0x23: {  	s9 =	sor.u32 $0xD0000000, s2;
	s6 =	simm.s32 $0x108;
	_ =	swait.ge @!p0 [sflag:s8], $0x0  }
0x24: {  	s3 =	sadd.s32 $0x88, s3;
	s6 =	simm.s32 @!p1 $0x1082;
	[sflag:s4] =	ssyncset.s32 $0xFFFFF086  }
0x25: {  	[simem:s6], [sflag:s4] =	dma.local [hbm:s3], $0xF7A  }
0x26: {  	[smem:$0x3F8F] =	sst s1;
	(tag) =	ssettag s2;
	_ =	strace s9  }
0x27: {  	s1 =	sld [smem:$0x3F9F]  }
0x28: {  	s2 =	sld [smem:$0x3FA0]  }
0x29: {  	s4 =	sld [smem:$0x3FA2]  }
0x2a: {  	p0 =	seq.s32 s5, $0x0;
	s5 =	sld [smem:$0x3FA3]  }
0x2b: {  	s6 =	sld [smem:$0x3FA4]  }
0x2c: {  	s7 =	sld [smem:$0x3FA5]  }
0x2d: {  	s3 =	simm.s32 $0x108;
	s8 =	sld [smem:$0x3FA6]  }
0x2e: {  	s3 =	simm.s32 @!p0 $0x1082;
	s9 =	sld [smem:$0x3FA7]  }
0x2f: {  	lr =	sadd.s32 s0, s3;
	s0 =	sld [smem:$0x3F9E]  }
0x30: {  	s3 =	sld [smem:$0x3FA1]  }
0x31: {  	[smem:$0x3FAA] =	sst s10  }
0x32: {  	s10 =	sld [smem:$0x3FA8];
	_ =	sdelay $0x3  }
0x33: {  	p0 =	seq.s32 s10, $0x1;
	s10 =	sld [smem:$0x3FAA];
	_ =	sdelay $0x3  }
0x34: {  	[smem:$0x3FAA] =	sst s10  }
0x35: {  	s10 =	sld [smem:$0x3FA9];
	_ =	sdelay $0x3  }
0x36: {  	p1 =	seq.s32 s10, $0x1;
	s10 =	sld [smem:$0x3FAA];
	_ =	sdelay $0x3  }
0x37: {  	[smem:$0x3FAA] =	sst s10  }
0x38: {  	s10 =	sld [smem:$0x3FAB]  }
0x39: {  	_ = 	snop;
	(pc) =	sbr.ind lr, $3  }
0x3a: {  	_ = 	snop  }
0x3b: {  	_ = 	snop  }
0x3c: {  	p2 =	seq.s32 s10, $0x1;
	s10 =	sld [smem:$0x3FAA]  }
0x3d: {  	_ =	shalt  }
0x3e: {  	_ =	shalt  }
0x3f: {  	_ =	shalt  }
0x40: {  	_ =	shalt  }
0x41: {  	_ =	shalt  }
0x42: {  	_ =	shalt  }
0x43: {  	_ =	shalt  }
0x44: {  	_ =	shalt  }
0x45: {  	_ =	shalt  }
0x46: {  	_ =	shalt  }
0x47: {  	_ =	shalt  }
0x48: {  	_ =	shalt  }
0x49: {  	_ =	shalt  }
0x4a: {  	_ =	shalt  }
0x4b: {  	_ =	shalt  }
0x4c: {  	_ =	shalt  }
0x4d: {  	_ =	shalt  }
0x4e: {  	_ =	shalt  }
0x4f: {  	_ =	shalt  }
0x50: {  	_ =	shalt  }
0x51: {  	_ =	shalt  }
0x52: {  	_ =	shalt  }
0x53: {  	_ =	shalt  }
0x54: {  	_ =	shalt  }
0x55: {  	_ =	shalt  }
0x56: {  	_ =	shalt  }
0x57: {  	_ =	shalt  }
0x58: {  	_ =	shalt  }
0x59: {  	_ =	shalt  }
0x5a: {  	_ =	shalt  }
0x5b: {  	_ =	shalt  }
0x5c: {  	_ =	shalt  }
0x5d: {  	_ =	shalt  }
0x5e: {  	_ =	shalt  }
0x5f: {  	_ =	shalt  }
0x60: {  	_ =	shalt  }
0x61: {  	_ =	shalt  }
0x62: {  	_ =	shalt  }
0x63: {  	_ =	shalt  }
0x64: {  	_ =	shalt  }
0x65: {  	_ =	shalt  }
0x66: {  	_ =	shalt  }
0x67: {  	_ =	shalt  }
0x68: {  	_ =	shalt  }
0x69: {  	_ =	shalt  }
0x6a: {  	_ =	shalt  }
0x6b: {  	_ =	shalt  }
0x6c: {  	_ =	shalt  }
0x6d: {  	_ =	shalt  }
0x6e: {  	_ =	shalt  }
0x6f: {  	_ =	shalt  }
0x70: {  	_ =	shalt  }
0x71: {  	_ =	shalt  }
0x72: {  	_ =	shalt  }
0x73: {  	_ =	shalt  }
0x74: {  	_ =	shalt  }
0x75: {  	_ =	shalt  }
0x76: {  	_ =	shalt  }
0x77: {  	_ =	shalt  }
0x78: {  	_ =	shalt  }
0x79: {  	_ =	shalt  }
0x7a: {  	_ =	shalt  }
0x7b: {  	_ =	shalt  }
0x7c: {  	_ =	shalt  }
0x7d: {  	_ =	shalt  }
0x7e: {  	_ =	shalt  }
0x7f: {  	_ =	shalt  }
0x80: {  	_ =	shalt  }
0x81: {  	_ =	shalt  }
0x82: {  	_ =	shalt  }
0x83: {  	_ =	shalt  }
0x84: {  	_ =	shalt  }
0x85: {  	_ =	shalt  }
0x86: {  	_ =	shalt  }
0x87: {  	_ =	shalt  }
.Lfunc_end0:
.L_simem_size_0:
called_computation_lowered:
.L_overlay_start_0:
0x88: {  	s2 =	sld [smem:$0x3FD9]  }
0x89: {  	s3 =	sld [smem:$0x3FFE];
	_ =	sdelay $0x1  }
0x8a: {  	s1 =	srdreg.scid  }
0x8b: {  	s0 =	sand.u32 $0x1, s1  }
0x8c: {  	s15 =	sshll.u32 s0, $0xA;
	s2 =	sadd.s32 s3, s2  }
0x8d: {  	s2 =	sadd.s32 s2, s15  }
0x8e: {  	[smem:$0x3FB6] =	sst s2  }
0x8f: {  	_ = 	snop  }
0x90: {  	s2 =	sld [smem:$0x3FD0];
	_ =	sdelay $0x2  }
0x91: {  	s4 =	simm.s32 $0xA;
	s5 =	simm.s32 $0x10;
	s16 =	sld [smem:$0x3FC7]  }
0x92: {  	[smem:s5], [sflag:s4] =	dma.local [hbm:s2], $0x1  }
0x93: {  	_ =	swait.eq [sflag:s4], $0x1  }
0x94: {  	[sflag:s4] =	ssyncset.done $0x0  }
0x95: {  	s17 =	sld [smem:$0x10];
	[sflag:s4] =	ssyncadd.s32 $0xFFFFFFFF  }
0x96: {  	s18 =	sld [smem:$0x11];
	(tm) =	ssettm $0x1  }
0x97: {  	s19 =	sld [smem:$0x3FFB];
	_ =	sdelay $0x3  }
0x98: {  	_ =	strace s19  }
0x99: {  	s5 =	sld [smem:$0x3FFC];
	_ =	sdelay $0x3  }
0x9a: {  	_ =	strace s5  }
0x9b: {  	s5 =	sld [smem:$0x3FFD];
	_ =	sdelay $0x3  }
0x9c: {  	_ =	strace s5  }
0x9d: {  	_ =	strace $0x8FFFFFFF  }
0x9e: {  	s20 =	sld [smem:$0x3FDB];
	_ =	sdelay $0x1  }
0x9f: {  	s6 =	simm.s32 $_scs_section_size  }
0xa0: {  	s7 =	simm.s32 $_size__tile_overlayer_lowered;
	s8 =	simm.s32 $_tile_overlayer_lowered  }
0xa1: {  	s23 =	simm.s32 $0x1BFF;
	s22 =	sshll.u32 s8, $0x1;
	s5 =	sadd.s32 s6, s20  }
0xa2: {  	s9 =	simm.s32 $0x0;
	s21 =	sshll.u32 s7, $0x1;
	s7 =	sadd.s32 s22, s5  }
0xa3: {  	[timem:s9], [sflag:s23] =	dma.local [hbm:s7], s21  }
0xa4: {  	_ =	swait.ge [sflag:s23], s21  }
0xa5: {  	s6 =	ssub.s32 $0x0, s21;
	[sflag:s23] =	ssyncset.done $0x0  }
0xa6: {  	[sflag:s23] =	ssyncadd.s32 s6;
	_ =	sdelay $0x1  }
0xa7: {  	s24 =	simm.s32 $0x1B8B  }
0xa8: {  	_ =	swait.ge [sflag:s24], $0x1  }
0xa9: {  	[sflag:s24] =	ssyncset.done $0x0  }
0xaa: {  	s25 =	simm.s32 $0x1B8E;
	[sflag:s24] =	ssyncadd.s32 $0xFFFFFFFF  }
0xab: {  	s26 =	simm.s32 $execute0_lowered;
	[smem:$0x3FD2] =	sst s25  }
0xac: {  	s6 =	sshll.u32 s26, $0x1;
	_ =	strace $0x80000046;
	[dreg:$0x1] =	wrdreg $0xFFFFFFFF  }
0xad: {  	s28 =	simm.s32 $_size_execute0_lowered;
	s5 =	sadd.s32 s5, s6;
	[dreg:$0x0] =	wrdreg $0x0  }
0xae: {  	s6 =	sshll.u32 s28, $0x1;
	[dreg:$0x2] =	wrdreg s5  }
0xaf: {  	[dreg:$0x3] =	wrdreg s6  }
0xb0: {  	[dreg:$0x4] =	wrdreg $0xC0  }
0xb1: {  	_ =	task [dreg:s9], $0x5FFFF  }
0xb2: {  	[dreg:$0x1] =	wrdreg $0xFFFFFFFF  }
0xb3: {  	[dreg:$0x0] =	wrdreg $0x60  }
0xb4: {  	[dreg:$0x2] =	wrdreg s17  }
0xb5: {  	[dreg:$0x3] =	wrdreg s16  }
0xb6: {  	[dreg:$0x4] =	wrdreg s18  }
0xb7: {  	[dreg:$0x5] =	wrdreg $0x9  }
0xb8: {  	_ =	task.clear_ibuf [dreg:s9], $0x6FFFF;
	_ =	strace $0x90000046  }
0xb9: {  	s29 =	simm.s32 $0x9;
	_ =	strace $0x80000048  }
0xba: {  	_ =	swait.ge [sflag:s29], $0x1  }
0xbb: {  	[sflag:s29] =	ssyncadd.s32 $0xFFFFFFFF  }
0xbc: {  	_ =	strace $0x90000048  }
0xbd: {  	_ =	sfence  }
0xbe: {  	s30 =	sld [smem:$0x0];
	_ =	sdelay $0x2  }
0xbf: {  	s31 =	sshll.u32 s1, $0xD;
	s1 =	sshrl.u32 s1, $0x2  }
0xc0: {  	s3 =	sand.u32 $0x4000, s31;
	s1 =	sadd.s32 s1, s30  }
0xc1: {  	s0 =	sor.u32 s3, s0;
	s1 =	sshll.u32 s1, $0x11  }
0xc2: {  	s0 =	sor.u32 s1, s0  }
0xc3: {  	s0 =	sadd.s32 $0x8F2B, s0  }
0xc4: {  	[sflag:s0] =	ssyncadd.remote.s32 $0x1  }
0xc5: {  	_ =	sfence.sel $0xFFFF  }
0xc6: {  	[dreg:$0x0] =	wrdreg $0xFFFFFFFF;
	(pc) =	sbr.abs _section_cstart, $3  }
0xc7: {  	[dreg:$0x1] =	wrdreg $0xFFFFFFFF  }
0xc8: {  	_ =	task.clear_ibuf [dreg:s9], $0x2FFFF;
	_ =	strace $0x9FFFFFFF  }
0xc9: {  	(tm) =	ssettm $0x7FFFFFFF  }
tec
execute0_lowered:
.L_overlay_start_1:
0x0: {  	(tag) =	ssettag $0x1  }
0x1: {  	s4 =	rddreg [dreg:$0x0]  }
0x2: {  	s2 =	rddreg [dreg:$0x1]  }
0x3: {  	s1 =	srdreg.scid;
	s0 =	stileid.u32  }
0x4: {  	s10 =	rddreg [dreg:$0x2];
	s11 =	sand.u32 $0x1, s1;
	s5 =	sshll.u32 s0, $0x1  }
0x5: {  	s3 =	simm.s32 $0x0;
	s1 =	rddreg [dreg:$0x3];
	s12 =	sor.u32 s11, s5  }
0x6: {  	[smem:$0x7FF] =	sst s3;
	s5 =	sshll.u32 s12, $0x5  }
0x7: {  	_ =	strace $0x80000047;
	s5 =	sadd.s32 s4, s5;
	s4 =	simm.s32 $0x2  }
0x8: {  	[tilespmem:s3], [sflag:$0x2] =	stream.linear.gather [hbm4b:s5+s3], $0x100, $0x38;
	[tilespmem:$0x8100] =	vst v63  }
0x9: {  	_ =	swait.ge [sflag:s4], $0x100  }
0xa: {  	[sflag:s4] =	ssyncset.done $0x0  }
0xb: {  	s6 =	simm.s32 $0x80;
	s7 =	simm.s32 $0x100;
	[sflag:s4] =	ssyncadd.s32 $0xFFFFFF00  }
0xc: {  	[tilespmem:s7], [sflag:$0x1] =	stream.indirect.gather [hbm4b:s2+s6], $0x80, s3, s6, $0xb8;
	[tilespmem:$0x8100] =	vst v63  }
0xd: {  	s8 =	simm.s32 $0x4100;
	s9 =	simm.s32 $0x1;
	s11 =	ssub.s32 $0x2, s11  }
0xe: {  	[tilespmem:s8], [sflag:$0x1] =	stream.indirect.gather [hbm4b:s2+s6], $0x80, s6, s6, $0xb8;
	[tilespmem:$0x8100] =	vst v63  }
0xf: {  	s13 =	sshrl.u32 s11, $0x1;
	_ =	swait.ge [sflag:s9], $0x4000  }
0x10: {  	s11 =	ssub.s32 s11, s13;
	[sflag:s9] =	ssyncset.done $0x0  }
0x11: {  	s11 =	smax.u32 s11, $0x1;
	[sflag:s9] =	ssyncadd.s32 $0xFFFFC000  }
0x12: {  	p0 =	sne.s32 s11, $0x1;
	_ =	swait.ge [sflag:s9], $0x4000  }
.Ltmp0:
0x13: {  	s12 =	sshll.u32 s12, $0xC;
	[sflag:s9] =	ssyncset.done $0x0;
	(pc) =	sbr.rel @!p0 .LBB2_2-.Ltmp0, $4  }
0x14: {  	s10 =	sadd.s32 s10, s12;
	[sflag:s9] =	ssyncadd.s32 $0xFFFFC000  }
0x15: {  	[hbm4b:s10+s3] =	stream.linear.scatter [tilespmem:s7], [sflag:$0x2], $0x8000, $0x38;
	[tilespmem:$0x8100] =	vst v63  }
0x16: {  	_ =	swait.ge [sflag:s4], $0x8000  }
0x17: {  	s11 =	sadd.s32 $0xFFFFFFFF, s11;
	[sflag:s4] =	ssyncset.done $0x0  }
.LBB2_1:
0x18: {  	p0 =	sne.s32 s11, $0x1;
	s11 =	sadd.s32 $0xFFFFFFFF, s11;
	[sflag:s4] =	ssyncadd.s32 $0xFFFF8000  }
0x19: {  	[tilespmem:s3], [sflag:$0x2] =	stream.linear.gather [hbm4b:s5+s3], $0x100, $0x38;
	[tilespmem:$0x8100] =	vst v63  }
0x1a: {  	_ =	swait.ge [sflag:s4], $0x100  }
0x1b: {  	[sflag:s4] =	ssyncset.done $0x0  }
0x1c: {  	[sflag:s4] =	ssyncadd.s32 $0xFFFFFF00  }
0x1d: {  	[tilespmem:s7], [sflag:$0x1] =	stream.indirect.gather [hbm4b:s2+s6], $0x80, s3, s6, $0xb8;
	[tilespmem:$0x8100] =	vst v63  }
0x1e: {  	_ = 	snop  }
0x1f: {  	[tilespmem:s8], [sflag:$0x1] =	stream.indirect.gather [hbm4b:s2+s6], $0x80, s6, s6, $0xb8;
	[tilespmem:$0x8100] =	vst v63  }
0x20: {  	_ =	swait.ge [sflag:s9], $0x4000  }
0x21: {  	[sflag:s9] =	ssyncset.done $0x0  }
0x22: {  	[sflag:s9] =	ssyncadd.s32 $0xFFFFC000  }
0x23: {  	_ =	swait.ge [sflag:s9], $0x4000  }
.Ltmp1:
0x24: {  	[sflag:s9] =	ssyncset.done $0x0;
	(pc) =	sbr.rel @p0 .LBB2_1-.Ltmp1, $4  }
0x25: {  	[sflag:s9] =	ssyncadd.s32 $0xFFFFC000  }
0x26: {  	[hbm4b:s10+s3] =	stream.linear.scatter [tilespmem:s7], [sflag:$0x2], $0x8000, $0x38;
	[tilespmem:$0x8100] =	vst v63  }
0x27: {  	_ =	swait.ge [sflag:s4], $0x8000  }
0x28: {  	[sflag:s4] =	ssyncset.done $0x0  }
.LBB2_2:
0x29: {  	[sflag:s4] =	ssyncadd.s32 $0xFFFF8000  }
0x2a: {  	_ =	sfence.sel $0x180000  }
0x2b: {  	[bflag:$0x0] =	sbarrier.arrive $0xFFFF  }
0x2c: {  	p0 =	sne.s32 s0, $0x0;
	_ =	strace $0x90000047  }
0x2d: {  	s0 =	sadd.s32 @!p0 $0x100000, s1;
	[bflag:$0x2] =	sbarrier.arrive $0xFFFF  }
0x2e: {  	[sflag:s0] =	ssyncadd.tile.s32 @!p0 $0x1;
	_ =	shalt  }
.Lfunc_end2:
_tile_overlayer_lowered:
.L_overlay_start_2:
0x2f: {  	(tag) =	ssettag $0x2  }
0x30: {  	s0 =	rddreg [dreg:$0x0];
	s2 =	stileid.u32  }
0x31: {  	s1 =	rddreg [dreg:$0x1];
	p0 =	sne.s32 s2, $0x0  }
0x32: {  	s3 =	rddreg [dreg:$0x2];
	[bflag:$0x3] =	sbarrier.arrive $0xFFFF;
	s2 =	simm.s32 @!p0 $0x1C02  }
0x33: {  	[timem:s3], [sflag:s2] =	dma.local @!p0 [hbm:s0], s1  }
0x34: {  	s0 =	simm.s32 @!p0 $0x2  }
0x35: {  	_ =	swait.ge @!p0 [sflag:s0], s1  }
0x36: {  	s1 =	ssub.s32 @!p0 $0x0, s1;
	[sflag:s0] =	ssyncset.done @!p0 $0x0  }
0x37: {  	[sflag:s0] =	ssyncadd.s32 @!p0 s1  }
0x38: {  	[bflag:$0x3] =	sbarrier.arrive $0xFFFF  }
0x39: {  	_ =	shalt  }

</sc_bundles>
